<compile_context>
chip_gen: v7x
topology: tpu7x:2x2x1
jax: 0.10.2.dev20260603
libtpu: 0.0.44.dev20260713+nightly
codegen_flags: <defaults>
</compile_context>

<pallas_src>
import functools

import jax
import jax.numpy as jnp
from jax import lax
from jax.experimental import pallas as pl
from jax.experimental.pallas import tpu as pltpu
from jax.experimental.pallas import tpu_sc as plsc

_N = 10000
_E = 320000
_D = 128
_H = 16
_OUT = 128

_NC = 2
_NS = 16
_NW = _NC * _NS
_L = 16

_B = 128
_EPT = _E // _NW
_NCHUNK = -(-_EPT // _B)
_EPTP = _NCHUNK * _B
_NP = 10240
_RPT = _NP // _NS
_SRT = 160


def _make_prop(C, gather):
  mesh = plsc.VectorSubcoreMesh(
      core_axis_name="c", subcore_axis_name="s",
      num_cores=_NC, num_subcores=_NS)
  scratch = [
      pltpu.VMEM((_EPTP,), jnp.int32) if gather else
      pltpu.VMEM((_L,), jnp.int32),
      pltpu.VMEM((_NCHUNK, _B), jnp.int32),
      pltpu.VMEM((2 if gather else 1, _B, C), jnp.float32),
      pltpu.VMEM((_SRT, C), jnp.float32),
      pltpu.VMEM_SHARED((_NP, C), jnp.float32),
      pltpu.SemaphoreType.DMA,
      pltpu.SemaphoreType.DMA,
  ]
  _TAIL = _EPT - (_NCHUNK - 1) * _B

  def body(row_hbm, col_hbm, src_hbm, out_hbm,
           rowidx, colidx, msg, stage, acc, gsem, psem):
    cid = lax.axis_index("c")
    sid = lax.axis_index("s")
    wid = sid * _NC + cid
    base_e = wid * _EPT

    zf = jnp.zeros((_L,), jnp.float32)
    def zbody(r, carry):
      for kk in range(C // _L):
        stage[r, pl.ds(kk * _L, _L)] = zf
      return carry
    lax.fori_loop(0, _SRT, zbody, 0)
    def zcopy(b, carry):
      pltpu.sync_copy(stage, acc.at[pl.ds(sid * _RPT + b * _SRT, _SRT)])
      return carry
    lax.fori_loop(0, _RPT // _SRT, zcopy, 0)

    def cstart(j, carry):
      pltpu.make_async_copy(
          col_hbm.at[pl.ds(base_e + j * _B, _B)], colidx.at[j], psem).start()
      return carry
    lax.fori_loop(0, _NCHUNK - 1, cstart, 0)
    cp_tail = pltpu.make_async_copy(
        col_hbm.at[pl.ds(base_e + (_NCHUNK - 1) * _B, _TAIL)],
        colidx.at[_NCHUNK - 1].at[pl.ds(0, _TAIL)], psem)
    cp_tail.start()
    if gather:
      cp_r = pltpu.make_async_copy(
          row_hbm.at[pl.ds(base_e, _EPT)], rowidx.at[pl.ds(0, _EPT)], psem)
      cp_r.start()
      for kk in range((_EPTP - _EPT) // _L):
        rowidx[pl.ds(_EPT + kk * _L, _L)] = jnp.zeros((_L,), jnp.int32)
    else:
      of = jnp.ones((_L,), jnp.float32)
      def obody(r, carry):
        for kk in range(C // _L):
          msg[0, r, pl.ds(kk * _L, _L)] = of
        return carry
      lax.fori_loop(0, _B, obody, 0)
    for kk in range((_B - _TAIL) // _L):
      colidx[_NCHUNK - 1, pl.ds(_TAIL + kk * _L, _L)] = jnp.full(
          (_L,), _N, jnp.int32)
    def cwait(j, carry):
      pltpu.make_async_copy(
          col_hbm.at[pl.ds(base_e + j * _B, _B)], colidx.at[j], psem).wait()
      return carry
    lax.fori_loop(0, _NCHUNK - 1, cwait, 0)
    cp_tail.wait()
    if gather:
      cp_r.wait()

    plsc.subcore_barrier()

    if gather:
      def gdesc(j, p):
        return pltpu.make_async_copy(
            src_hbm.at[rowidx.at[pl.ds(j * _B, _B)]], msg.at[p], gsem)

      gdesc(0, 0).start()

      def ebody(j, carry):
        p = lax.rem(j, 2)
        gdesc(j, p).wait()
        @pl.when(j + 1 < _NCHUNK)
        def _start_next():
          gdesc(j + 1, 1 - p).start()
        pltpu.sync_copy(msg.at[p], acc.at[colidx.at[j]], add=True)
        return carry
      lax.fori_loop(0, _NCHUNK, ebody, 0)
    else:
      def ebody(j, carry):
        pltpu.sync_copy(msg.at[0], acc.at[colidx.at[j]], add=True)
        return carry
      lax.fori_loop(0, _NCHUNK, ebody, 0)

    plsc.subcore_barrier()

    def wcopy(b, carry):
      base = sid * _RPT + b * _SRT
      pltpu.sync_copy(acc.at[pl.ds(base, _SRT)], stage)
      pltpu.sync_copy(stage, out_hbm.at[cid].at[pl.ds(base, _SRT)])
      return carry
    lax.fori_loop(0, _RPT // _SRT, wcopy, 0)

  return functools.partial(
      pl.kernel,
      out_type=jax.ShapeDtypeStruct((_NC, _NP, C), jnp.float32),
      mesh=mesh, scratch_types=scratch,
      compiler_params=pltpu.CompilerParams(use_tc_tiling_on_sc=False))(body)


_BLK = 128
_G = -(-_N // _BLK)


def _dense1(x, wcat, h0, h1):
  def body(x_ref, w_ref, h0_ref, h1_ref, dis_ref, out0_ref, yp_ref):
    deg = h0_ref[:, 0:1] + h1_ref[:, 0:1] + 1.0
    dis = lax.rsqrt(deg)
    dis_ref[...] = dis
    xw = jnp.dot(x_ref[...], w_ref[...],
                 preferred_element_type=jnp.float32,
                 precision=lax.Precision.HIGHEST)
    out0_ref[...] = xw[:, 0:_H]
    yp_ref[...] = xw[:, _H:3 * _H] * dis
  return pl.pallas_call(
      body,
      grid=(_G,),
      in_specs=[pl.BlockSpec((_BLK, _D), lambda i: (i, 0)),
                pl.BlockSpec((_D, 3 * _H), lambda i: (0, 0)),
                pl.BlockSpec((_BLK, _L), lambda i: (i, 0)),
                pl.BlockSpec((_BLK, _L), lambda i: (i, 0))],
      out_specs=[pl.BlockSpec((_BLK, 1), lambda i: (i, 0)),
                 pl.BlockSpec((_BLK, _H), lambda i: (i, 0)),
                 pl.BlockSpec((_BLK, 2 * _H), lambda i: (i, 0))],
      out_shape=[jax.ShapeDtypeStruct((_N, 1), jnp.float32),
                 jax.ShapeDtypeStruct((_N, _H), jnp.float32),
                 jax.ShapeDtypeStruct((_N, 2 * _H), jnp.float32)],
  )(x, wcat, h0, h1)


def _dense2(a0, a1, yp, dis):
  def body(a0_ref, a1_ref, yp_ref, dis_ref, out1_ref, zp_ref):
    dis = dis_ref[...]
    p1 = (a0_ref[...] + a1_ref[...] + yp_ref[...]) * dis
    out1_ref[...] = p1[:, 0:_H]
    zp_ref[...] = p1[:, _H:2 * _H] * dis
  return pl.pallas_call(
      body,
      grid=(_G,),
      in_specs=[pl.BlockSpec((_BLK, 2 * _H), lambda i: (i, 0)),
                pl.BlockSpec((_BLK, 2 * _H), lambda i: (i, 0)),
                pl.BlockSpec((_BLK, 2 * _H), lambda i: (i, 0)),
                pl.BlockSpec((_BLK, 1), lambda i: (i, 0))],
      out_specs=[pl.BlockSpec((_BLK, _H), lambda i: (i, 0)),
                 pl.BlockSpec((_BLK, _H), lambda i: (i, 0))],
      out_shape=[jax.ShapeDtypeStruct((_N, _H), jnp.float32),
                 jax.ShapeDtypeStruct((_N, _H), jnp.float32)],
  )(a0, a1, yp, dis)


def _dense3(a0, a1, zp, dis, out0, out1, cb, lw, lb):
  def body(a0_ref, a1_ref, zp_ref, dis_ref, o0_ref, o1_ref, cb_ref, lw_ref,
           lb_ref, out_ref):
    out2 = (a0_ref[...] + a1_ref[...] + zp_ref[...]) * dis_ref[...]
    h = jnp.concatenate([o0_ref[...], o1_ref[...], out2], axis=1)
    h = jnp.maximum(h + cb_ref[...], 0.0)
    o = jnp.dot(h, lw_ref[...],
                preferred_element_type=jnp.float32,
                precision=lax.Precision.HIGHEST)
    out_ref[...] = o + lb_ref[...]
  return pl.pallas_call(
      body,
      grid=(_G,),
      in_specs=[pl.BlockSpec((_BLK, _H), lambda i: (i, 0)),
                pl.BlockSpec((_BLK, _H), lambda i: (i, 0)),
                pl.BlockSpec((_BLK, _H), lambda i: (i, 0)),
                pl.BlockSpec((_BLK, 1), lambda i: (i, 0)),
                pl.BlockSpec((_BLK, _H), lambda i: (i, 0)),
                pl.BlockSpec((_BLK, _H), lambda i: (i, 0)),
                pl.BlockSpec((1, 3 * _H), lambda i: (0, 0)),
                pl.BlockSpec((3 * _H, _OUT), lambda i: (0, 0)),
                pl.BlockSpec((1, _OUT), lambda i: (0, 0))],
      out_specs=pl.BlockSpec((_BLK, _OUT), lambda i: (i, 0)),
      out_shape=jax.ShapeDtypeStruct((_N, _OUT), jnp.float32),
  )(a0, a1, zp, dis, out0, out1, cb, lw, lb)


_hist = _make_prop(_L, gather=False)
_prop32 = _make_prop(2 * _H, gather=True)
_prop16 = _make_prop(_H, gather=True)


def kernel(x, edge_index, W0, W1, W2, conv_bias, lin_W, lin_b):
  row = edge_index[0]
  col = edge_index[1]
  wcat = jnp.concatenate([W0, W1, W2], axis=1)

  hist = _hist(row, col, x)
  h0 = hist[0, :_N, :]
  h1 = hist[1, :_N, :]
  dis, out0, yp = _dense1(x, wcat, h0, h1)

  a1 = _prop32(row, col, yp)
  out1, zp = _dense2(a1[0, :_N], a1[1, :_N], yp, dis)

  a2 = _prop16(row, col, zp)
  out = _dense3(a2[0, :_N], a2[1, :_N], zp, dis, out0, out1,
                conv_bias.reshape(1, 3 * _H), lin_W, lin_b.reshape(1, _OUT))
  return out

# --- scband reference (transcript-rebuilt; emitter-appended) ---
"""Pipeline reference for scband-mix-hop-84954453115009 (READ-ONLY COPY).

The authoritative reference and input builder live on the scoring server;
editing this copy changes nothing except your own understanding.
"""

import jax, jax.numpy as jnp
import numpy as np

N = 10000
E = 320000
D = 128
H = 16
OUT = 128
NUM_POWERS = 3


def gcn_norm(edge_index, num_nodes):
    # add self loops with weight 1, then symmetric normalization (GCN norm)
    row = edge_index[0]
    col = edge_index[1]
    loop = jnp.arange(num_nodes, dtype=row.dtype)
    row = jnp.concatenate([row, loop])
    col = jnp.concatenate([col, loop])
    w = jnp.ones(row.shape[0], dtype=jnp.float32)
    deg = jax.ops.segment_sum(w, col, num_segments=num_nodes)
    deg_inv_sqrt = jnp.where(deg > 0, 1.0 / jnp.sqrt(deg), 0.0)
    norm = deg_inv_sqrt[row] * w * deg_inv_sqrt[col]
    return row, col, norm


def propagate(x, row, col, norm, num_nodes):
    msg = jnp.take(x, row, axis=0) * norm[:, None]
    return jax.ops.segment_sum(msg, col, num_segments=num_nodes)


def setup_inputs(seed: int = 0) -> dict:
    key = jax.random.key(seed)
    ks = jax.random.split(key, 8)
    x = jax.random.normal(ks[0], (N, D), dtype=jnp.float32)
    edge_index = jax.random.randint(ks[1], (2, E), 0, N, dtype=jnp.int32)
    # MixHopConv linear weights (one per power, bias shared over concat)
    W0 = jax.random.normal(ks[2], (D, H), dtype=jnp.float32) / np.sqrt(D)
    W1 = jax.random.normal(ks[3], (D, H), dtype=jnp.float32) / np.sqrt(D)
    W2 = jax.random.normal(ks[4], (D, H), dtype=jnp.float32) / np.sqrt(D)
    conv_bias = jnp.zeros((NUM_POWERS * H,), dtype=jnp.float32)
    # final linear
    lin_W = jax.random.normal(ks[5], (NUM_POWERS * H, OUT), dtype=jnp.float32) / np.sqrt(NUM_POWERS * H)
    lin_b = jnp.zeros((OUT,), dtype=jnp.float32)
    return {"x": x, "edge_index": edge_index, "W0": W0, "W1": W1, "W2": W2,
            "conv_bias": conv_bias, "lin_W": lin_W, "lin_b": lin_b}


def reference(x, edge_index, W0, W1, W2, conv_bias, lin_W, lin_b):
    row, col, norm = gcn_norm(edge_index, N)
    # power 0: identity hop
    out0 = x @ W0
    # power 1
    h1 = propagate(x, row, col, norm, N)
    out1 = h1 @ W1
    # power 2
    h2 = propagate(h1, row, col, norm, N)
    out2 = h2 @ W2
    out = jnp.concatenate([out0, out1, out2], axis=-1) + conv_bias
    out = jax.nn.relu(out)
    # dropout is identity in eval mode
    out = out @ lin_W + lin_b
    return out

if __name__ == "__main__":
    import jax
    _d = setup_inputs()
    print(jax.jit(kernel)(*tuple(_d.values())))

</pallas_src>

<mosaic_0001>
#map = affine_map<(d0, d1) -> (0)>
#map1 = affine_map<(d0, d1) -> (0, 0)>
#map2 = affine_map<(d0, d1) -> (0, 0, 0)>
module attributes {stable_mosaic.version = 14 : i64} {
  func.func @body(%arg0: i32, %arg1: i32, %arg2: memref<320000xi32, #tpu.memory_space<hbm>>, %arg3: memref<320000xi32, #tpu.memory_space<hbm>>, %arg4: memref<10000x128xf32, #tpu.memory_space<hbm>>, %arg5: memref<2x10240x16xf32, #tpu.memory_space<hbm>>, %arg6: memref<16xi32, #tpu.memory_space<vmem>>, %arg7: memref<79x128xi32, #tpu.memory_space<vmem>>, %arg8: memref<1x128x16xf32, #tpu.memory_space<vmem>>, %arg9: memref<160x16xf32, #tpu.memory_space<vmem>>, %arg10: memref<10240x16xf32, #tpu.memory_space<vmem_shared>>, %arg11: memref<!tpu.dma_semaphore, #tpu.memory_space<semaphore_mem>>, %arg12: memref<!tpu.dma_semaphore, #tpu.memory_space<semaphore_mem>>) attributes {dimension_semantics = [#tpu.dimension_semantics<core_parallel>, #tpu.dimension_semantics<subcore_parallel>], iteration_bounds = array<i64: 2, 16>, scalar_prefetch = 0 : i64, scratch_operands = 7 : i64, tpu.core_type = #tpu.core_type<sc_vector_subcore>, window_params = [{transform_indices = #map}, {transform_indices = #map}, {transform_indices = #map1}, {transform_indices = #map2}]} {
    %mul3A = arith.constant 2 : i32
    %mul3A_0 = arith.muli %arg1, %mul3A : i32
    %add3A = arith.addi %mul3A_0, %arg0 : i32
    %mul3A_1 = arith.constant 10000 : i32
    %mul3A_2 = arith.muli %add3A, %mul3A_1 : i32
    %broadcast_in_dim3A = arith.constant 0.000000e+00 : f32
    %broadcast_in_dim3A_3 = vector.broadcast %broadcast_in_dim3A : f32 to vector<16xf32>
    %scan3A = arith.constant 0 : i32
    %scan3A_4 = arith.constant 0 : i32
    %scan3A_5 = arith.constant 160 : i32
    %scan3A_6 = arith.addi %scan3A_4, %scan3A_5 : i32
    %scan3A_7 = arith.constant 1 : i32
    scf.for %scan3A_129 = %scan3A_4 to %scan3A_6 step %scan3A_7  : i32 {
      %swap3A_130 = arith.index_cast %scan3A_129 : i32 to index
      %swap3A_131 = arith.constant 0 : index
      %swap3A_132 = tpu.vector_load %arg9[%swap3A_130, %swap3A_131] {strides = array<i32>} : memref<160x16xf32, #tpu.memory_space<vmem>>, vector<1x16xf32>,
      %swap3A_133 = vector.shape_cast %swap3A_132 : vector<1x16xf32> to vector<16xf32>
      %swap3A_134 = vector.shape_cast %broadcast_in_dim3A_3 : vector<16xf32> to vector<1x16xf32>
      tpu.vector_store %arg9[%swap3A_130, %swap3A_131], %swap3A_134 {strides = array<i32>} : memref<160x16xf32, #tpu.memory_space<vmem>>, vector<1x16xf32>,
    }
    %scan3A_8 = arith.constant 160 : i32
    %scan3A_9 = arith.constant 0 : i32
    %scan3A_10 = arith.constant 0 : i32
    %scan3A_11 = arith.constant 4 : i32
    %scan3A_12 = arith.addi %scan3A_10, %scan3A_11 : i32
    %scan3A_13 = arith.constant 1 : i32
    scf.for %scan3A_129 = %scan3A_10 to %scan3A_12 step %scan3A_13  : i32 {
      %mul3A_130 = arith.constant 640 : i32
      %mul3A_131 = arith.muli %arg1, %mul3A_130 : i32
      %mul3A_132 = arith.constant 160 : i32
      %mul3A_133 = arith.muli %scan3A_129, %mul3A_132 : i32
      %add3A_134 = arith.addi %mul3A_131, %mul3A_133 : i32
      "tpu.region"() ({
        %run_scoped3A = tpu.sem_alloc : memref<!tpu.dma_semaphore, #tpu.memory_space<semaphore_mem>>
        %dma_start3A_135 = arith.constant 0 : i32
        %dma_start3A_136 = tpu.memref_slice %arg10[%add3A_134, %dma_start3A_135] : memref<10240x16xf32, #tpu.memory_space<vmem_shared>> -> memref<160x16xf32, #tpu.memory_space<vmem_shared>>
        %dma_start3A_137 = arith.constant 0 : i32
        %dma_start3A_138 = tpu.memref_slice %arg10[%add3A_134, %dma_start3A_137] : memref<10240x16xf32, #tpu.memory_space<vmem_shared>> -> memref<160x16xf32, #tpu.memory_space<vmem_shared>>
        tpu.enqueue_dma source(%arg9 : memref<160x16xf32, #tpu.memory_space<vmem>>) target(%dma_start3A_138 : memref<160x16xf32, #tpu.memory_space<vmem_shared>>) target_semaphore(%run_scoped3A : memref<!tpu.dma_semaphore, #tpu.memory_space<semaphore_mem>>)
        %dma_wait3A_139 = arith.constant 0 : i32
        %dma_wait3A_140 = tpu.memref_slice %arg10[%add3A_134, %dma_wait3A_139] : memref<10240x16xf32, #tpu.memory_space<vmem_shared>> -> memref<160x16xf32, #tpu.memory_space<vmem_shared>>
        %dma_wait3A_141 = arith.constant 0 : i32
        %dma_wait3A_142 = tpu.memref_slice %arg10[%add3A_134, %dma_wait3A_141] : memref<10240x16xf32, #tpu.memory_space<vmem_shared>> -> memref<160x16xf32, #tpu.memory_space<vmem_shared>>
        tpu.wait_dma2 semaphore(%run_scoped3A : memref<!tpu.dma_semaphore, #tpu.memory_space<semaphore_mem>>) src(%arg9 : memref<160x16xf32, #tpu.memory_space<vmem>>) dst(%dma_wait3A_142 : memref<160x16xf32, #tpu.memory_space<vmem_shared>>)
        tpu.yield
      }) : () -> ()
    }
    %scan3A_14 = arith.constant 4 : i32
    %scan3A_15 = arith.constant 0 : i32
    %scan3A_16 = arith.constant 0 : i32
    %scan3A_17 = arith.constant 78 : i32
    %scan3A_18 = arith.addi %scan3A_16, %scan3A_17 : i32
    %scan3A_19 = arith.constant 1 : i32
    scf.for %scan3A_129 = %scan3A_16 to %scan3A_18 step %scan3A_19  : i32 {
      %mul3A_130 = arith.constant 128 : i32
      %mul3A_131 = arith.muli %scan3A_129, %mul3A_130 : i32
      %add3A_132 = arith.addi %mul3A_2, %mul3A_131 : i32
      %dma_start3A_133 = arith.constant 0 : i32
      %dma_start3A_134 = tpu.memref_slice %arg7[%scan3A_129, %dma_start3A_133] : memref<79x128xi32, #tpu.memory_space<vmem>> -> memref<1x128xi32, #tpu.memory_space<vmem>>
      %dma_start3A_135 = tpu.memref_squeeze %dma_start3A_134 : memref<1x128xi32, #tpu.memory_space<vmem>> -> memref<128xi32, #tpu.memory_space<vmem>>
      %dma_start3A_136 = tpu.memref_slice %arg3[%add3A_132] : memref<320000xi32, #tpu.memory_space<hbm>> -> memref<128xi32, #tpu.memory_space<hbm>>
      %dma_start3A_137 = arith.constant 0 : i32
      %dma_start3A_138 = tpu.memref_slice %arg7[%scan3A_129, %dma_start3A_137] : memref<79x128xi32, #tpu.memory_space<vmem>> -> memref<1x128xi32, #tpu.memory_space<vmem>>
      %dma_start3A_139 = tpu.memref_squeeze %dma_start3A_138 : memref<1x128xi32, #tpu.memory_space<vmem>> -> memref<128xi32, #tpu.memory_space<vmem>>
      %dma_start3A_140 = tpu.memref_slice %arg3[%add3A_132] : memref<320000xi32, #tpu.memory_space<hbm>> -> memref<128xi32, #tpu.memory_space<hbm>>
      tpu.enqueue_dma source(%dma_start3A_140 : memref<128xi32, #tpu.memory_space<hbm>>) target(%dma_start3A_139 : memref<128xi32, #tpu.memory_space<vmem>>) target_semaphore(%arg12 : memref<!tpu.dma_semaphore, #tpu.memory_space<semaphore_mem>>)
    }
    %scan3A_20 = arith.constant 78 : i32
    %add3A_21 = arith.constant 9984 : i32
    %add3A_22 = arith.addi %mul3A_2, %add3A_21 : i32
    %dma_start3A = arith.constant 78 : i32
    %dma_start3A_23 = arith.constant 0 : i32
    %dma_start3A_24 = tpu.memref_slice %arg7[%dma_start3A, %dma_start3A_23] : memref<79x128xi32, #tpu.memory_space<vmem>> -> memref<1x128xi32, #tpu.memory_space<vmem>>
    %dma_start3A_25 = tpu.memref_squeeze %dma_start3A_24 : memref<1x128xi32, #tpu.memory_space<vmem>> -> memref<128xi32, #tpu.memory_space<vmem>>
    %dma_start3A_26 = arith.constant 0 : i32
    %dma_start3A_27 = tpu.memref_slice %dma_start3A_25[%dma_start3A_26] : memref<128xi32, #tpu.memory_space<vmem>> -> memref<16xi32, #tpu.memory_space<vmem>>
    %dma_start3A_28 = tpu.memref_slice %arg3[%add3A_22] : memref<320000xi32, #tpu.memory_space<hbm>> -> memref<16xi32, #tpu.memory_space<hbm>>
    %dma_start3A_29 = arith.constant 0 : i32
    %dma_start3A_30 = tpu.memref_slice %arg7[%dma_start3A, %dma_start3A_29] : memref<79x128xi32, #tpu.memory_space<vmem>> -> memref<1x128xi32, #tpu.memory_space<vmem>>
    %dma_start3A_31 = tpu.memref_squeeze %dma_start3A_30 : memref<1x128xi32, #tpu.memory_space<vmem>> -> memref<128xi32, #tpu.memory_space<vmem>>
    %dma_start3A_32 = arith.constant 0 : i32
    %dma_start3A_33 = tpu.memref_slice %dma_start3A_31[%dma_start3A_32] : memref<128xi32, #tpu.memory_space<vmem>> -> memref<16xi32, #tpu.memory_space<vmem>>
    %dma_start3A_34 = tpu.memref_slice %arg3[%add3A_22] : memref<320000xi32, #tpu.memory_space<hbm>> -> memref<16xi32, #tpu.memory_space<hbm>>
    tpu.enqueue_dma source(%dma_start3A_34 : memref<16xi32, #tpu.memory_space<hbm>>) target(%dma_start3A_33 : memref<16xi32, #tpu.memory_space<vmem>>) target_semaphore(%arg12 : memref<!tpu.dma_semaphore, #tpu.memory_space<semaphore_mem>>)
    %broadcast_in_dim3A_35 = arith.constant 1.000000e+00 : f32
    %broadcast_in_dim3A_36 = vector.broadcast %broadcast_in_dim3A_35 : f32 to vector<16xf32>
    %scan3A_37 = arith.constant 0 : i32
    %scan3A_38 = arith.constant 0 : i32
    %scan3A_39 = arith.constant 128 : i32
    %scan3A_40 = arith.addi %scan3A_38, %scan3A_39 : i32
    %scan3A_41 = arith.constant 1 : i32
    scf.for %scan3A_129 = %scan3A_38 to %scan3A_40 step %scan3A_41  : i32 {
      %swap3A_130 = arith.constant 0 : i32
      %swap3A_131 = arith.index_cast %swap3A_130 : i32 to index
      %swap3A_132 = arith.index_cast %scan3A_129 : i32 to index
      %swap3A_133 = arith.constant 0 : index
      %swap3A_134 = tpu.vector_load %arg8[%swap3A_131, %swap3A_132, %swap3A_133] {strides = array<i32>} : memref<1x128x16xf32, #tpu.memory_space<vmem>>, vector<1x1x16xf32>,
      %swap3A_135 = vector.shape_cast %swap3A_134 : vector<1x1x16xf32> to vector<16xf32>
      %swap3A_136 = vector.shape_cast %broadcast_in_dim3A_36 : vector<16xf32> to vector<1x1x16xf32>
      tpu.vector_store %arg8[%swap3A_131, %swap3A_132, %swap3A_133], %swap3A_136 {strides = array<i32>} : memref<1x128x16xf32, #tpu.memory_space<vmem>>, vector<1x1x16xf32>,
    }
    %scan3A_42 = arith.constant 128 : i32
    %broadcast_in_dim3A_43 = arith.constant 10000 : i32
    %broadcast_in_dim3A_44 = vector.broadcast %broadcast_in_dim3A_43 : i32 to vector<16xi32>
    %swap3A = arith.constant 78 : i32
    %swap3A_45 = arith.index_cast %swap3A : i32 to index
    %swap3A_46 = arith.constant 16 : index
    %swap3A_47 = tpu.vector_load %arg7[%swap3A_45, %swap3A_46] {strides = array<i32>} : memref<79x128xi32, #tpu.memory_space<vmem>>, vector<1x16xi32>,
    %swap3A_48 = vector.shape_cast %swap3A_47 : vector<1x16xi32> to vector<16xi32>
    %swap3A_49 = vector.shape_cast %broadcast_in_dim3A_44 : vector<16xi32> to vector<1x16xi32>
    tpu.vector_store %arg7[%swap3A_45, %swap3A_46], %swap3A_49 {strides = array<i32>} : memref<79x128xi32, #tpu.memory_space<vmem>>, vector<1x16xi32>,
    %broadcast_in_dim3A_50 = arith.constant 10000 : i32
    %broadcast_in_dim3A_51 = vector.broadcast %broadcast_in_dim3A_50 : i32 to vector<16xi32>
    %swap3A_52 = arith.constant 78 : i32
    %swap3A_53 = arith.index_cast %swap3A_52 : i32 to index
    %swap3A_54 = arith.constant 32 : index
    %swap3A_55 = tpu.vector_load %arg7[%swap3A_53, %swap3A_54] {strides = array<i32>} : memref<79x128xi32, #tpu.memory_space<vmem>>, vector<1x16xi32>,
    %swap3A_56 = vector.shape_cast %swap3A_55 : vector<1x16xi32> to vector<16xi32>
    %swap3A_57 = vector.shape_cast %broadcast_in_dim3A_51 : vector<16xi32> to vector<1x16xi32>
    tpu.vector_store %arg7[%swap3A_53, %swap3A_54], %swap3A_57 {strides = array<i32>} : memref<79x128xi32, #tpu.memory_space<vmem>>, vector<1x16xi32>,
    %broadcast_in_dim3A_58 = arith.constant 10000 : i32
    %broadcast_in_dim3A_59 = vector.broadcast %broadcast_in_dim3A_58 : i32 to vector<16xi32>
    %swap3A_60 = arith.constant 78 : i32
    %swap3A_61 = arith.index_cast %swap3A_60 : i32 to index
    %swap3A_62 = arith.constant 48 : index
    %swap3A_63 = tpu.vector_load %arg7[%swap3A_61, %swap3A_62] {strides = array<i32>} : memref<79x128xi32, #tpu.memory_space<vmem>>, vector<1x16xi32>,
    %swap3A_64 = vector.shape_cast %swap3A_63 : vector<1x16xi32> to vector<16xi32>
    %swap3A_65 = vector.shape_cast %broadcast_in_dim3A_59 : vector<16xi32> to vector<1x16xi32>
    tpu.vector_store %arg7[%swap3A_61, %swap3A_62], %swap3A_65 {strides = array<i32>} : memref<79x128xi32, #tpu.memory_space<vmem>>, vector<1x16xi32>,
    %broadcast_in_dim3A_66 = arith.constant 10000 : i32
    %broadcast_in_dim3A_67 = vector.broadcast %broadcast_in_dim3A_66 : i32 to vector<16xi32>
    %swap3A_68 = arith.constant 78 : i32
    %swap3A_69 = arith.index_cast %swap3A_68 : i32 to index
    %swap3A_70 = arith.constant 64 : index
    %swap3A_71 = tpu.vector_load %arg7[%swap3A_69, %swap3A_70] {strides = array<i32>} : memref<79x128xi32, #tpu.memory_space<vmem>>, vector<1x16xi32>,
    %swap3A_72 = vector.shape_cast %swap3A_71 : vector<1x16xi32> to vector<16xi32>
    %swap3A_73 = vector.shape_cast %broadcast_in_dim3A_67 : vector<16xi32> to vector<1x16xi32>
    tpu.vector_store %arg7[%swap3A_69, %swap3A_70], %swap3A_73 {strides = array<i32>} : memref<79x128xi32, #tpu.memory_space<vmem>>, vector<1x16xi32>,
    %broadcast_in_dim3A_74 = arith.constant 10000 : i32
    %broadcast_in_dim3A_75 = vector.broadcast %broadcast_in_dim3A_74 : i32 to vector<16xi32>
    %swap3A_76 = arith.constant 78 : i32
    %swap3A_77 = arith.index_cast %swap3A_76 : i32 to index
    %swap3A_78 = arith.constant 80 : index
    %swap3A_79 = tpu.vector_load %arg7[%swap3A_77, %swap3A_78] {strides = array<i32>} : memref<79x128xi32, #tpu.memory_space<vmem>>, vector<1x16xi32>,
    %swap3A_80 = vector.shape_cast %swap3A_79 : vector<1x16xi32> to vector<16xi32>
    %swap3A_81 = vector.shape_cast %broadcast_in_dim3A_75 : vector<16xi32> to vector<1x16xi32>
    tpu.vector_store %arg7[%swap3A_77, %swap3A_78], %swap3A_81 {strides = array<i32>} : memref<79x128xi32, #tpu.memory_space<vmem>>, vector<1x16xi32>,
    %broadcast_in_dim3A_82 = arith.constant 10000 : i32
    %broadcast_in_dim3A_83 = vector.broadcast %broadcast_in_dim3A_82 : i32 to vector<16xi32>
    %swap3A_84 = arith.constant 78 : i32
    %swap3A_85 = arith.index_cast %swap3A_84 : i32 to index
    %swap3A_86 = arith.constant 96 : index
    %swap3A_87 = tpu.vector_load %arg7[%swap3A_85, %swap3A_86] {strides = array<i32>} : memref<79x128xi32, #tpu.memory_space<vmem>>, vector<1x16xi32>,
    %swap3A_88 = vector.shape_cast %swap3A_87 : vector<1x16xi32> to vector<16xi32>
    %swap3A_89 = vector.shape_cast %broadcast_in_dim3A_83 : vector<16xi32> to vector<1x16xi32>
    tpu.vector_store %arg7[%swap3A_85, %swap3A_86], %swap3A_89 {strides = array<i32>} : memref<79x128xi32, #tpu.memory_space<vmem>>, vector<1x16xi32>,
    %broadcast_in_dim3A_90 = arith.constant 10000 : i32
    %broadcast_in_dim3A_91 = vector.broadcast %broadcast_in_dim3A_90 : i32 to vector<16xi32>
    %swap3A_92 = arith.constant 78 : i32
    %swap3A_93 = arith.index_cast %swap3A_92 : i32 to index
    %swap3A_94 = arith.constant 112 : index
    %swap3A_95 = tpu.vector_load %arg7[%swap3A_93, %swap3A_94] {strides = array<i32>} : memref<79x128xi32, #tpu.memory_space<vmem>>, vector<1x16xi32>,
    %swap3A_96 = vector.shape_cast %swap3A_95 : vector<1x16xi32> to vector<16xi32>
    %swap3A_97 = vector.shape_cast %broadcast_in_dim3A_91 : vector<16xi32> to vector<1x16xi32>
    tpu.vector_store %arg7[%swap3A_93, %swap3A_94], %swap3A_97 {strides = array<i32>} : memref<79x128xi32, #tpu.memory_space<vmem>>, vector<1x16xi32>,
    %scan3A_98 = arith.constant 0 : i32
    %scan3A_99 = arith.constant 0 : i32
    %scan3A_100 = arith.constant 78 : i32
    %scan3A_101 = arith.addi %scan3A_99, %scan3A_100 : i32
    %scan3A_102 = arith.constant 1 : i32
    scf.for %scan3A_129 = %scan3A_99 to %scan3A_101 step %scan3A_102  : i32 {
      %mul3A_130 = arith.constant 128 : i32
      %mul3A_131 = arith.muli %scan3A_129, %mul3A_130 : i32
      %add3A_132 = arith.addi %mul3A_2, %mul3A_131 : i32
      %dma_wait3A_133 = arith.constant 0 : i32
      %dma_wait3A_134 = tpu.memref_slice %arg7[%scan3A_129, %dma_wait3A_133] : memref<79x128xi32, #tpu.memory_space<vmem>> -> memref<1x128xi32, #tpu.memory_space<vmem>>
      %dma_wait3A_135 = tpu.memref_squeeze %dma_wait3A_134 : memref<1x128xi32, #tpu.memory_space<vmem>> -> memref<128xi32, #tpu.memory_space<vmem>>
      %dma_wait3A_136 = tpu.memref_slice %arg3[%add3A_132] : memref<320000xi32, #tpu.memory_space<hbm>> -> memref<128xi32, #tpu.memory_space<hbm>>
      %dma_wait3A_137 = arith.constant 0 : i32
      %dma_wait3A_138 = tpu.memref_slice %arg7[%scan3A_129, %dma_wait3A_137] : memref<79x128xi32, #tpu.memory_space<vmem>> -> memref<1x128xi32, #tpu.memory_space<vmem>>
      %dma_wait3A_139 = tpu.memref_squeeze %dma_wait3A_138 : memref<1x128xi32, #tpu.memory_space<vmem>> -> memref<128xi32, #tpu.memory_space<vmem>>
      %dma_wait3A_140 = tpu.memref_slice %arg3[%add3A_132] : memref<320000xi32, #tpu.memory_space<hbm>> -> memref<128xi32, #tpu.memory_space<hbm>>
      tpu.wait_dma2 semaphore(%arg12 : memref<!tpu.dma_semaphore, #tpu.memory_space<semaphore_mem>>) src(%dma_wait3A_140 : memref<128xi32, #tpu.memory_space<hbm>>) dst(%dma_wait3A_139 : memref<128xi32, #tpu.memory_space<vmem>>)
    }
    %scan3A_103 = arith.constant 78 : i32
    %dma_wait3A = arith.constant 78 : i32
    %dma_wait3A_104 = arith.constant 0 : i32
    %dma_wait3A_105 = tpu.memref_slice %arg7[%dma_wait3A, %dma_wait3A_104] : memref<79x128xi32, #tpu.memory_space<vmem>> -> memref<1x128xi32, #tpu.memory_space<vmem>>
    %dma_wait3A_106 = tpu.memref_squeeze %dma_wait3A_105 : memref<1x128xi32, #tpu.memory_space<vmem>> -> memref<128xi32, #tpu.memory_space<vmem>>
    %dma_wait3A_107 = arith.constant 0 : i32
    %dma_wait3A_108 = tpu.memref_slice %dma_wait3A_106[%dma_wait3A_107] : memref<128xi32, #tpu.memory_space<vmem>> -> memref<16xi32, #tpu.memory_space<vmem>>
    %dma_wait3A_109 = tpu.memref_slice %arg3[%add3A_22] : memref<320000xi32, #tpu.memory_space<hbm>> -> memref<16xi32, #tpu.memory_space<hbm>>
    %dma_wait3A_110 = arith.constant 0 : i32
    %dma_wait3A_111 = tpu.memref_slice %arg7[%dma_wait3A, %dma_wait3A_110] : memref<79x128xi32, #tpu.memory_space<vmem>> -> memref<1x128xi32, #tpu.memory_space<vmem>>
    %dma_wait3A_112 = tpu.memref_squeeze %dma_wait3A_111 : memref<1x128xi32, #tpu.memory_space<vmem>> -> memref<128xi32, #tpu.memory_space<vmem>>
    %dma_wait3A_113 = arith.constant 0 : i32
    %dma_wait3A_114 = tpu.memref_slice %dma_wait3A_112[%dma_wait3A_113] : memref<128xi32, #tpu.memory_space<vmem>> -> memref<16xi32, #tpu.memory_space<vmem>>
    %dma_wait3A_115 = tpu.memref_slice %arg3[%add3A_22] : memref<320000xi32, #tpu.memory_space<hbm>> -> memref<16xi32, #tpu.memory_space<hbm>>
    tpu.wait_dma2 semaphore(%arg12 : memref<!tpu.dma_semaphore, #tpu.memory_space<semaphore_mem>>) src(%dma_wait3A_115 : memref<16xi32, #tpu.memory_space<hbm>>) dst(%dma_wait3A_114 : memref<16xi32, #tpu.memory_space<vmem>>)
    %barrier3A = arith.constant 0 : index
    tpu.barrier barrier_id(%barrier3A)
    %scan3A_116 = arith.constant 0 : i32
    %scan3A_117 = arith.constant 0 : i32
    %scan3A_118 = arith.constant 79 : i32
    %scan3A_119 = arith.addi %scan3A_117, %scan3A_118 : i32
    %scan3A_120 = arith.constant 1 : i32
    scf.for %scan3A_129 = %scan3A_117 to %scan3A_119 step %scan3A_120  : i32 {
      %run_scoped3A = arith.constant 0 : i32
      "tpu.region"() ({
        %run_scoped3A_130 = tpu.sem_alloc : memref<!tpu.dma_semaphore, #tpu.memory_space<semaphore_mem>>
        %dma_start3A_131 = arith.constant 0 : i32
        %dma_start3A_132 = arith.constant 0 : i32
        %dma_start3A_133 = tpu.memref_slice %arg8[%run_scoped3A, %dma_start3A_131, %dma_start3A_132] : memref<1x128x16xf32, #tpu.memory_space<vmem>> -> memref<1x128x16xf32, #tpu.memory_space<vmem>>
        %dma_start3A_134 = tpu.memref_squeeze %dma_start3A_133 : memref<1x128x16xf32, #tpu.memory_space<vmem>> -> memref<128x16xf32, #tpu.memory_space<vmem>>
        %dma_start3A_135 = arith.constant 0 : i32
        %dma_start3A_136 = tpu.memref_slice %arg7[%scan3A_129, %dma_start3A_135] : memref<79x128xi32, #tpu.memory_space<vmem>> -> memref<1x128xi32, #tpu.memory_space<vmem>>
        %dma_start3A_137 = tpu.memref_squeeze %dma_start3A_136 : memref<1x128xi32, #tpu.memory_space<vmem>> -> memref<128xi32, #tpu.memory_space<vmem>>
        %dma_start3A_138 = arith.constant 0 : i32
        %dma_start3A_139 = arith.constant 0 : i32
        %dma_start3A_140 = tpu.memref_slice %arg10[%dma_start3A_138, %dma_start3A_139] : memref<10240x16xf32, #tpu.memory_space<vmem_shared>> -> memref<10240x16xf32, #tpu.memory_space<vmem_shared>>
        tpu.enqueue_indirect_dma source(%dma_start3A_134 : memref<128x16xf32, #tpu.memory_space<vmem>>) target(%dma_start3A_140 : memref<10240x16xf32, #tpu.memory_space<vmem_shared>>) offsets(%dma_start3A_137 : memref<128xi32, #tpu.memory_space<vmem>>) semaphore(%run_scoped3A_130 : memref<!tpu.dma_semaphore, #tpu.memory_space<semaphore_mem>>) {add = true}
        %dma_wait3A_141 = arith.constant 0 : i32
        %dma_wait3A_142 = arith.constant 0 : i32
        %dma_wait3A_143 = tpu.memref_slice %arg8[%run_scoped3A, %dma_wait3A_141, %dma_wait3A_142] : memref<1x128x16xf32, #tpu.memory_space<vmem>> -> memref<1x128x16xf32, #tpu.memory_space<vmem>>
        %dma_wait3A_144 = tpu.memref_squeeze %dma_wait3A_143 : memref<1x128x16xf32, #tpu.memory_space<vmem>> -> memref<128x16xf32, #tpu.memory_space<vmem>>
        %dma_wait3A_145 = arith.constant 0 : i32
        %dma_wait3A_146 = tpu.memref_slice %arg7[%scan3A_129, %dma_wait3A_145] : memref<79x128xi32, #tpu.memory_space<vmem>> -> memref<1x128xi32, #tpu.memory_space<vmem>>
        %dma_wait3A_147 = tpu.memref_squeeze %dma_wait3A_146 : memref<1x128xi32, #tpu.memory_space<vmem>> -> memref<128xi32, #tpu.memory_space<vmem>>
        %dma_wait3A_148 = arith.constant 0 : i32
        %dma_wait3A_149 = arith.constant 0 : i32
        %dma_wait3A_150 = tpu.memref_slice %arg10[%dma_wait3A_148, %dma_wait3A_149] : memref<10240x16xf32, #tpu.memory_space<vmem_shared>> -> memref<10240x16xf32, #tpu.memory_space<vmem_shared>>
        tpu.wait_indirect_dma semaphore(%run_scoped3A_130 : memref<!tpu.dma_semaphore, #tpu.memory_space<semaphore_mem>>) src(%dma_wait3A_144 : memref<128x16xf32, #tpu.memory_space<vmem>>) dst(%dma_wait3A_150 : memref<10240x16xf32, #tpu.memory_space<vmem_shared>>)
        tpu.yield
      }) : () -> ()
    }
    %scan3A_121 = arith.constant 79 : i32
    %barrier3A_122 = arith.constant 0 : index
    tpu.barrier barrier_id(%barrier3A_122)
    %scan3A_123 = arith.constant 0 : i32
    %scan3A_124 = arith.constant 0 : i32
    %scan3A_125 = arith.constant 4 : i32
    %scan3A_126 = arith.addi %scan3A_124, %scan3A_125 : i32
    %scan3A_127 = arith.constant 1 : i32
    scf.for %scan3A_129 = %scan3A_124 to %scan3A_126 step %scan3A_127  : i32 {
      %mul3A_130 = arith.constant 640 : i32
      %mul3A_131 = arith.muli %arg1, %mul3A_130 : i32
      %mul3A_132 = arith.constant 160 : i32
      %mul3A_133 = arith.muli %scan3A_129, %mul3A_132 : i32
      %add3A_134 = arith.addi %mul3A_131, %mul3A_133 : i32
      "tpu.region"() ({
        %run_scoped3A = tpu.sem_alloc : memref<!tpu.dma_semaphore, #tpu.memory_space<semaphore_mem>>
        %dma_start3A_135 = arith.constant 0 : i32
        %dma_start3A_136 = tpu.memref_slice %arg10[%add3A_134, %dma_start3A_135] : memref<10240x16xf32, #tpu.memory_space<vmem_shared>> -> memref<160x16xf32, #tpu.memory_space<vmem_shared>>
        %dma_start3A_137 = arith.constant 0 : i32
        %dma_start3A_138 = tpu.memref_slice %arg10[%add3A_134, %dma_start3A_137] : memref<10240x16xf32, #tpu.memory_space<vmem_shared>> -> memref<160x16xf32, #tpu.memory_space<vmem_shared>>
        tpu.enqueue_dma source(%dma_start3A_138 : memref<160x16xf32, #tpu.memory_space<vmem_shared>>) target(%arg9 : memref<160x16xf32, #tpu.memory_space<vmem>>) target_semaphore(%run_scoped3A : memref<!tpu.dma_semaphore, #tpu.memory_space<semaphore_mem>>)
        %dma_wait3A_139 = arith.constant 0 : i32
        %dma_wait3A_140 = tpu.memref_slice %arg10[%add3A_134, %dma_wait3A_139] : memref<10240x16xf32, #tpu.memory_space<vmem_shared>> -> memref<160x16xf32, #tpu.memory_space<vmem_shared>>
        %dma_wait3A_141 = arith.constant 0 : i32
        %dma_wait3A_142 = tpu.memref_slice %arg10[%add3A_134, %dma_wait3A_141] : memref<10240x16xf32, #tpu.memory_space<vmem_shared>> -> memref<160x16xf32, #tpu.memory_space<vmem_shared>>
        tpu.wait_dma2 semaphore(%run_scoped3A : memref<!tpu.dma_semaphore, #tpu.memory_space<semaphore_mem>>) src(%dma_wait3A_142 : memref<160x16xf32, #tpu.memory_space<vmem_shared>>) dst(%arg9 : memref<160x16xf32, #tpu.memory_space<vmem>>)
        tpu.yield
      }) : () -> ()
      "tpu.region"() ({
        %run_scoped3A = tpu.sem_alloc : memref<!tpu.dma_semaphore, #tpu.memory_space<semaphore_mem>>
        %dma_start3A_135 = arith.constant 0 : i32
        %dma_start3A_136 = arith.constant 0 : i32
        %dma_start3A_137 = tpu.memref_slice %arg5[%arg0, %dma_start3A_135, %dma_start3A_136] : memref<2x10240x16xf32, #tpu.memory_space<hbm>> -> memref<1x10240x16xf32, #tpu.memory_space<hbm>>
        %dma_start3A_138 = tpu.memref_squeeze %dma_start3A_137 : memref<1x10240x16xf32, #tpu.memory_space<hbm>> -> memref<10240x16xf32, #tpu.memory_space<hbm>>
        %dma_start3A_139 = arith.constant 0 : i32
        %dma_start3A_140 = tpu.memref_slice %dma_start3A_138[%add3A_134, %dma_start3A_139] : memref<10240x16xf32, #tpu.memory_space<hbm>> -> memref<160x16xf32, #tpu.memory_space<hbm>>
        %dma_start3A_141 = arith.constant 0 : i32
        %dma_start3A_142 = arith.constant 0 : i32
        %dma_start3A_143 = tpu.memref_slice %arg5[%arg0, %dma_start3A_141, %dma_start3A_142] : memref<2x10240x16xf32, #tpu.memory_space<hbm>> -> memref<1x10240x16xf32, #tpu.memory_space<hbm>>
        %dma_start3A_144 = tpu.memref_squeeze %dma_start3A_143 : memref<1x10240x16xf32, #tpu.memory_space<hbm>> -> memref<10240x16xf32, #tpu.memory_space<hbm>>
        %dma_start3A_145 = arith.constant 0 : i32
        %dma_start3A_146 = tpu.memref_slice %dma_start3A_144[%add3A_134, %dma_start3A_145] : memref<10240x16xf32, #tpu.memory_space<hbm>> -> memref<160x16xf32, #tpu.memory_space<hbm>>
        tpu.enqueue_dma source(%arg9 : memref<160x16xf32, #tpu.memory_space<vmem>>) target(%dma_start3A_146 : memref<160x16xf32, #tpu.memory_space<hbm>>) target_semaphore(%run_scoped3A : memref<!tpu.dma_semaphore, #tpu.memory_space<semaphore_mem>>)
        %dma_wait3A_147 = arith.constant 0 : i32
        %dma_wait3A_148 = arith.constant 0 : i32
        %dma_wait3A_149 = tpu.memref_slice %arg5[%arg0, %dma_wait3A_147, %dma_wait3A_148] : memref<2x10240x16xf32, #tpu.memory_space<hbm>> -> memref<1x10240x16xf32, #tpu.memory_space<hbm>>
        %dma_wait3A_150 = tpu.memref_squeeze %dma_wait3A_149 : memref<1x10240x16xf32, #tpu.memory_space<hbm>> -> memref<10240x16xf32, #tpu.memory_space<hbm>>
        %dma_wait3A_151 = arith.constant 0 : i32
        %dma_wait3A_152 = tpu.memref_slice %dma_wait3A_150[%add3A_134, %dma_wait3A_151] : memref<10240x16xf32, #tpu.memory_space<hbm>> -> memref<160x16xf32, #tpu.memory_space<hbm>>
        %dma_wait3A_153 = arith.constant 0 : i32
        %dma_wait3A_154 = arith.constant 0 : i32
        %dma_wait3A_155 = tpu.memref_slice %arg5[%arg0, %dma_wait3A_153, %dma_wait3A_154] : memref<2x10240x16xf32, #tpu.memory_space<hbm>> -> memref<1x10240x16xf32, #tpu.memory_space<hbm>>
        %dma_wait3A_156 = tpu.memref_squeeze %dma_wait3A_155 : memref<1x10240x16xf32, #tpu.memory_space<hbm>> -> memref<10240x16xf32, #tpu.memory_space<hbm>>
        %dma_wait3A_157 = arith.constant 0 : i32
        %dma_wait3A_158 = tpu.memref_slice %dma_wait3A_156[%add3A_134, %dma_wait3A_157] : memref<10240x16xf32, #tpu.memory_space<hbm>> -> memref<160x16xf32, #tpu.memory_space<hbm>>
        tpu.wait_dma2 semaphore(%run_scoped3A : memref<!tpu.dma_semaphore, #tpu.memory_space<semaphore_mem>>) src(%arg9 : memref<160x16xf32, #tpu.memory_space<vmem>>) dst(%dma_wait3A_158 : memref<160x16xf32, #tpu.memory_space<hbm>>)
        tpu.yield
      }) : () -> ()
    }
    %scan3A_128 = arith.constant 4 : i32
    return
  }
}

#map = affine_map<(d0, d1) -> (0)>
#map1 = affine_map<(d0, d1) -> (0, 0)>
#map2 = affine_map<(d0, d1) -> (0, 0, 0)>
module attributes {stable_mosaic.version = 14 : i64} {
  func.func @body(%arg0: i32, %arg1: i32, %arg2: memref<320000xi32, #tpu.memory_space<hbm>>, %arg3: memref<320000xi32, #tpu.memory_space<hbm>>, %arg4: memref<10000x16xf32, #tpu.memory_space<hbm>>, %arg5: memref<2x10240x16xf32, #tpu.memory_space<hbm>>, %arg6: memref<10112xi32, #tpu.memory_space<vmem>>, %arg7: memref<79x128xi32, #tpu.memory_space<vmem>>, %arg8: memref<2x128x16xf32, #tpu.memory_space<vmem>>, %arg9: memref<160x16xf32, #tpu.memory_space<vmem>>, %arg10: memref<10240x16xf32, #tpu.memory_space<vmem_shared>>, %arg11: memref<!tpu.dma_semaphore, #tpu.memory_space<semaphore_mem>>, %arg12: memref<!tpu.dma_semaphore, #tpu.memory_space<semaphore_mem>>) attributes {dimension_semantics = [#tpu.dimension_semantics<core_parallel>, #tpu.dimension_semantics<subcore_parallel>], iteration_bounds = array<i64: 2, 16>, scalar_prefetch = 0 : i64, scratch_operands = 7 : i64, tpu.core_type = #tpu.core_type<sc_vector_subcore>, window_params = [{transform_indices = #map}, {transform_indices = #map}, {transform_indices = #map1}, {transform_indices = #map2}]} {
    %mul3A = arith.constant 2 : i32
    %mul3A_0 = arith.muli %arg1, %mul3A : i32
    %add3A = arith.addi %mul3A_0, %arg0 : i32
    %mul3A_1 = arith.constant 10000 : i32
    %mul3A_2 = arith.muli %add3A, %mul3A_1 : i32
    %broadcast_in_dim3A = arith.constant 0.000000e+00 : f32
    %broadcast_in_dim3A_3 = vector.broadcast %broadcast_in_dim3A : f32 to vector<16xf32>
    %scan3A = arith.constant 0 : i32
    %scan3A_4 = arith.constant 0 : i32
    %scan3A_5 = arith.constant 160 : i32
    %scan3A_6 = arith.addi %scan3A_4, %scan3A_5 : i32
    %scan3A_7 = arith.constant 1 : i32
    scf.for %scan3A_185 = %scan3A_4 to %scan3A_6 step %scan3A_7  : i32 {
      %swap3A_186 = arith.index_cast %scan3A_185 : i32 to index
      %swap3A_187 = arith.constant 0 : index
      %swap3A_188 = tpu.vector_load %arg9[%swap3A_186, %swap3A_187] {strides = array<i32>} : memref<160x16xf32, #tpu.memory_space<vmem>>, vector<1x16xf32>,
      %swap3A_189 = vector.shape_cast %swap3A_188 : vector<1x16xf32> to vector<16xf32>
      %swap3A_190 = vector.shape_cast %broadcast_in_dim3A_3 : vector<16xf32> to vector<1x16xf32>
      tpu.vector_store %arg9[%swap3A_186, %swap3A_187], %swap3A_190 {strides = array<i32>} : memref<160x16xf32, #tpu.memory_space<vmem>>, vector<1x16xf32>,
    }
    %scan3A_8 = arith.constant 160 : i32
    %scan3A_9 = arith.constant 0 : i32
    %scan3A_10 = arith.constant 0 : i32
    %scan3A_11 = arith.constant 4 : i32
    %scan3A_12 = arith.addi %scan3A_10, %scan3A_11 : i32
    %scan3A_13 = arith.constant 1 : i32
    scf.for %scan3A_185 = %scan3A_10 to %scan3A_12 step %scan3A_13  : i32 {
      %mul3A_186 = arith.constant 640 : i32
      %mul3A_187 = arith.muli %arg1, %mul3A_186 : i32
      %mul3A_188 = arith.constant 160 : i32
      %mul3A_189 = arith.muli %scan3A_185, %mul3A_188 : i32
      %add3A_190 = arith.addi %mul3A_187, %mul3A_189 : i32
      "tpu.region"() ({
        %run_scoped3A = tpu.sem_alloc : memref<!tpu.dma_semaphore, #tpu.memory_space<semaphore_mem>>
        %dma_start3A_191 = arith.constant 0 : i32
        %dma_start3A_192 = tpu.memref_slice %arg10[%add3A_190, %dma_start3A_191] : memref<10240x16xf32, #tpu.memory_space<vmem_shared>> -> memref<160x16xf32, #tpu.memory_space<vmem_shared>>
        %dma_start3A_193 = arith.constant 0 : i32
        %dma_start3A_194 = tpu.memref_slice %arg10[%add3A_190, %dma_start3A_193] : memref<10240x16xf32, #tpu.memory_space<vmem_shared>> -> memref<160x16xf32, #tpu.memory_space<vmem_shared>>
        tpu.enqueue_dma source(%arg9 : memref<160x16xf32, #tpu.memory_space<vmem>>) target(%dma_start3A_194 : memref<160x16xf32, #tpu.memory_space<vmem_shared>>) target_semaphore(%run_scoped3A : memref<!tpu.dma_semaphore, #tpu.memory_space<semaphore_mem>>)
        %dma_wait3A_195 = arith.constant 0 : i32
        %dma_wait3A_196 = tpu.memref_slice %arg10[%add3A_190, %dma_wait3A_195] : memref<10240x16xf32, #tpu.memory_space<vmem_shared>> -> memref<160x16xf32, #tpu.memory_space<vmem_shared>>
        %dma_wait3A_197 = arith.constant 0 : i32
        %dma_wait3A_198 = tpu.memref_slice %arg10[%add3A_190, %dma_wait3A_197] : memref<10240x16xf32, #tpu.memory_space<vmem_shared>> -> memref<160x16xf32, #tpu.memory_space<vmem_shared>>
        tpu.wait_dma2 semaphore(%run_scoped3A : memref<!tpu.dma_semaphore, #tpu.memory_space<semaphore_mem>>) src(%arg9 : memref<160x16xf32, #tpu.memory_space<vmem>>) dst(%dma_wait3A_198 : memref<160x16xf32, #tpu.memory_space<vmem_shared>>)
        tpu.yield
      }) : () -> ()
    }
    %scan3A_14 = arith.constant 4 : i32
    %scan3A_15 = arith.constant 0 : i32
    %scan3A_16 = arith.constant 0 : i32
    %scan3A_17 = arith.constant 78 : i32
    %scan3A_18 = arith.addi %scan3A_16, %scan3A_17 : i32
    %scan3A_19 = arith.constant 1 : i32
    scf.for %scan3A_185 = %scan3A_16 to %scan3A_18 step %scan3A_19  : i32 {
      %mul3A_186 = arith.constant 128 : i32
      %mul3A_187 = arith.muli %scan3A_185, %mul3A_186 : i32
      %add3A_188 = arith.addi %mul3A_2, %mul3A_187 : i32
      %dma_start3A_189 = arith.constant 0 : i32
      %dma_start3A_190 = tpu.memref_slice %arg7[%scan3A_185, %dma_start3A_189] : memref<79x128xi32, #tpu.memory_space<vmem>> -> memref<1x128xi32, #tpu.memory_space<vmem>>
      %dma_start3A_191 = tpu.memref_squeeze %dma_start3A_190 : memref<1x128xi32, #tpu.memory_space<vmem>> -> memref<128xi32, #tpu.memory_space<vmem>>
      %dma_start3A_192 = tpu.memref_slice %arg3[%add3A_188] : memref<320000xi32, #tpu.memory_space<hbm>> -> memref<128xi32, #tpu.memory_space<hbm>>
      %dma_start3A_193 = arith.constant 0 : i32
      %dma_start3A_194 = tpu.memref_slice %arg7[%scan3A_185, %dma_start3A_193] : memref<79x128xi32, #tpu.memory_space<vmem>> -> memref<1x128xi32, #tpu.memory_space<vmem>>
      %dma_start3A_195 = tpu.memref_squeeze %dma_start3A_194 : memref<1x128xi32, #tpu.memory_space<vmem>> -> memref<128xi32, #tpu.memory_space<vmem>>
      %dma_start3A_196 = tpu.memref_slice %arg3[%add3A_188] : memref<320000xi32, #tpu.memory_space<hbm>> -> memref<128xi32, #tpu.memory_space<hbm>>
      tpu.enqueue_dma source(%dma_start3A_196 : memref<128xi32, #tpu.memory_space<hbm>>) target(%dma_start3A_195 : memref<128xi32, #tpu.memory_space<vmem>>) target_semaphore(%arg12 : memref<!tpu.dma_semaphore, #tpu.memory_space<semaphore_mem>>)
    }
    %scan3A_20 = arith.constant 78 : i32
    %add3A_21 = arith.constant 9984 : i32
    %add3A_22 = arith.addi %mul3A_2, %add3A_21 : i32
    %dma_start3A = arith.constant 78 : i32
    %dma_start3A_23 = arith.constant 0 : i32
    %dma_start3A_24 = tpu.memref_slice %arg7[%dma_start3A, %dma_start3A_23] : memref<79x128xi32, #tpu.memory_space<vmem>> -> memref<1x128xi32, #tpu.memory_space<vmem>>
    %dma_start3A_25 = tpu.memref_squeeze %dma_start3A_24 : memref<1x128xi32, #tpu.memory_space<vmem>> -> memref<128xi32, #tpu.memory_space<vmem>>
    %dma_start3A_26 = arith.constant 0 : i32
    %dma_start3A_27 = tpu.memref_slice %dma_start3A_25[%dma_start3A_26] : memref<128xi32, #tpu.memory_space<vmem>> -> memref<16xi32, #tpu.memory_space<vmem>>
    %dma_start3A_28 = tpu.memref_slice %arg3[%add3A_22] : memref<320000xi32, #tpu.memory_space<hbm>> -> memref<16xi32, #tpu.memory_space<hbm>>
    %dma_start3A_29 = arith.constant 0 : i32
    %dma_start3A_30 = tpu.memref_slice %arg7[%dma_start3A, %dma_start3A_29] : memref<79x128xi32, #tpu.memory_space<vmem>> -> memref<1x128xi32, #tpu.memory_space<vmem>>
    %dma_start3A_31 = tpu.memref_squeeze %dma_start3A_30 : memref<1x128xi32, #tpu.memory_space<vmem>> -> memref<128xi32, #tpu.memory_space<vmem>>
    %dma_start3A_32 = arith.constant 0 : i32
    %dma_start3A_33 = tpu.memref_slice %dma_start3A_31[%dma_start3A_32] : memref<128xi32, #tpu.memory_space<vmem>> -> memref<16xi32, #tpu.memory_space<vmem>>
    %dma_start3A_34 = tpu.memref_slice %arg3[%add3A_22] : memref<320000xi32, #tpu.memory_space<hbm>> -> memref<16xi32, #tpu.memory_space<hbm>>
    tpu.enqueue_dma source(%dma_start3A_34 : memref<16xi32, #tpu.memory_space<hbm>>) target(%dma_start3A_33 : memref<16xi32, #tpu.memory_space<vmem>>) target_semaphore(%arg12 : memref<!tpu.dma_semaphore, #tpu.memory_space<semaphore_mem>>)
    %dma_start3A_35 = arith.constant 0 : i32
    %dma_start3A_36 = tpu.memref_slice %arg6[%dma_start3A_35] : memref<10112xi32, #tpu.memory_space<vmem>> -> memref<10000xi32, #tpu.memory_space<vmem>>
    %dma_start3A_37 = tpu.memref_slice %arg2[%mul3A_2] : memref<320000xi32, #tpu.memory_space<hbm>> -> memref<10000xi32, #tpu.memory_space<hbm>>
    %dma_start3A_38 = arith.constant 0 : i32
    %dma_start3A_39 = tpu.memref_slice %arg6[%dma_start3A_38] : memref<10112xi32, #tpu.memory_space<vmem>> -> memref<10000xi32, #tpu.memory_space<vmem>>
    %dma_start3A_40 = tpu.memref_slice %arg2[%mul3A_2] : memref<320000xi32, #tpu.memory_space<hbm>> -> memref<10000xi32, #tpu.memory_space<hbm>>
    tpu.enqueue_dma source(%dma_start3A_40 : memref<10000xi32, #tpu.memory_space<hbm>>) target(%dma_start3A_39 : memref<10000xi32, #tpu.memory_space<vmem>>) target_semaphore(%arg12 : memref<!tpu.dma_semaphore, #tpu.memory_space<semaphore_mem>>)
    %broadcast_in_dim3A_41 = arith.constant 0 : i32
    %broadcast_in_dim3A_42 = vector.broadcast %broadcast_in_dim3A_41 : i32 to vector<16xi32>
    %swap3A = arith.constant 10000 : index
    %swap3A_43 = tpu.vector_load %arg6[%swap3A] {strides = array<i32>} : memref<10112xi32, #tpu.memory_space<vmem>>, vector<16xi32>,
    %swap3A_44 = vector.shape_cast %swap3A_43 : vector<16xi32> to vector<16xi32>
    %swap3A_45 = vector.shape_cast %broadcast_in_dim3A_42 : vector<16xi32> to vector<16xi32>
    tpu.vector_store %arg6[%swap3A], %swap3A_45 {strides = array<i32>} : memref<10112xi32, #tpu.memory_space<vmem>>, vector<16xi32>,
    %broadcast_in_dim3A_46 = arith.constant 0 : i32
    %broadcast_in_dim3A_47 = vector.broadcast %broadcast_in_dim3A_46 : i32 to vector<16xi32>
    %swap3A_48 = arith.constant 10016 : index
    %swap3A_49 = tpu.vector_load %arg6[%swap3A_48] {strides = array<i32>} : memref<10112xi32, #tpu.memory_space<vmem>>, vector<16xi32>,
    %swap3A_50 = vector.shape_cast %swap3A_49 : vector<16xi32> to vector<16xi32>
    %swap3A_51 = vector.shape_cast %broadcast_in_dim3A_47 : vector<16xi32> to vector<16xi32>
    tpu.vector_store %arg6[%swap3A_48], %swap3A_51 {strides = array<i32>} : memref<10112xi32, #tpu.memory_space<vmem>>, vector<16xi32>,
    %broadcast_in_dim3A_52 = arith.constant 0 : i32
    %broadcast_in_dim3A_53 = vector.broadcast %broadcast_in_dim3A_52 : i32 to vector<16xi32>
    %swap3A_54 = arith.constant 10032 : index
    %swap3A_55 = tpu.vector_load %arg6[%swap3A_54] {strides = array<i32>} : memref<10112xi32, #tpu.memory_space<vmem>>, vector<16xi32>,
    %swap3A_56 = vector.shape_cast %swap3A_55 : vector<16xi32> to vector<16xi32>
    %swap3A_57 = vector.shape_cast %broadcast_in_dim3A_53 : vector<16xi32> to vector<16xi32>
    tpu.vector_store %arg6[%swap3A_54], %swap3A_57 {strides = array<i32>} : memref<10112xi32, #tpu.memory_space<vmem>>, vector<16xi32>,
    %broadcast_in_dim3A_58 = arith.constant 0 : i32
    %broadcast_in_dim3A_59 = vector.broadcast %broadcast_in_dim3A_58 : i32 to vector<16xi32>
    %swap3A_60 = arith.constant 10048 : index
    %swap3A_61 = tpu.vector_load %arg6[%swap3A_60] {strides = array<i32>} : memref<10112xi32, #tpu.memory_space<vmem>>, vector<16xi32>,
    %swap3A_62 = vector.shape_cast %swap3A_61 : vector<16xi32> to vector<16xi32>
    %swap3A_63 = vector.shape_cast %broadcast_in_dim3A_59 : vector<16xi32> to vector<16xi32>
    tpu.vector_store %arg6[%swap3A_60], %swap3A_63 {strides = array<i32>} : memref<10112xi32, #tpu.memory_space<vmem>>, vector<16xi32>,
    %broadcast_in_dim3A_64 = arith.constant 0 : i32
    %broadcast_in_dim3A_65 = vector.broadcast %broadcast_in_dim3A_64 : i32 to vector<16xi32>
    %swap3A_66 = arith.constant 10064 : index
    %swap3A_67 = tpu.vector_load %arg6[%swap3A_66] {strides = array<i32>} : memref<10112xi32, #tpu.memory_space<vmem>>, vector<16xi32>,
    %swap3A_68 = vector.shape_cast %swap3A_67 : vector<16xi32> to vector<16xi32>
    %swap3A_69 = vector.shape_cast %broadcast_in_dim3A_65 : vector<16xi32> to vector<16xi32>
    tpu.vector_store %arg6[%swap3A_66], %swap3A_69 {strides = array<i32>} : memref<10112xi32, #tpu.memory_space<vmem>>, vector<16xi32>,
    %broadcast_in_dim3A_70 = arith.constant 0 : i32
    %broadcast_in_dim3A_71 = vector.broadcast %broadcast_in_dim3A_70 : i32 to vector<16xi32>
    %swap3A_72 = arith.constant 10080 : index
    %swap3A_73 = tpu.vector_load %arg6[%swap3A_72] {strides = array<i32>} : memref<10112xi32, #tpu.memory_space<vmem>>, vector<16xi32>,
    %swap3A_74 = vector.shape_cast %swap3A_73 : vector<16xi32> to vector<16xi32>
    %swap3A_75 = vector.shape_cast %broadcast_in_dim3A_71 : vector<16xi32> to vector<16xi32>
    tpu.vector_store %arg6[%swap3A_72], %swap3A_75 {strides = array<i32>} : memref<10112xi32, #tpu.memory_space<vmem>>, vector<16xi32>,
    %broadcast_in_dim3A_76 = arith.constant 0 : i32
    %broadcast_in_dim3A_77 = vector.broadcast %broadcast_in_dim3A_76 : i32 to vector<16xi32>
    %swap3A_78 = arith.constant 10096 : index
    %swap3A_79 = tpu.vector_load %arg6[%swap3A_78] {strides = array<i32>} : memref<10112xi32, #tpu.memory_space<vmem>>, vector<16xi32>,
    %swap3A_80 = vector.shape_cast %swap3A_79 : vector<16xi32> to vector<16xi32>
    %swap3A_81 = vector.shape_cast %broadcast_in_dim3A_77 : vector<16xi32> to vector<16xi32>
    tpu.vector_store %arg6[%swap3A_78], %swap3A_81 {strides = array<i32>} : memref<10112xi32, #tpu.memory_space<vmem>>, vector<16xi32>,
    %broadcast_in_dim3A_82 = arith.constant 10000 : i32
    %broadcast_in_dim3A_83 = vector.broadcast %broadcast_in_dim3A_82 : i32 to vector<16xi32>
    %swap3A_84 = arith.constant 78 : i32
    %swap3A_85 = arith.index_cast %swap3A_84 : i32 to index
    %swap3A_86 = arith.constant 16 : index
    %swap3A_87 = tpu.vector_load %arg7[%swap3A_85, %swap3A_86] {strides = array<i32>} : memref<79x128xi32, #tpu.memory_space<vmem>>, vector<1x16xi32>,
    %swap3A_88 = vector.shape_cast %swap3A_87 : vector<1x16xi32> to vector<16xi32>
    %swap3A_89 = vector.shape_cast %broadcast_in_dim3A_83 : vector<16xi32> to vector<1x16xi32>
    tpu.vector_store %arg7[%swap3A_85, %swap3A_86], %swap3A_89 {strides = array<i32>} : memref<79x128xi32, #tpu.memory_space<vmem>>, vector<1x16xi32>,
    %broadcast_in_dim3A_90 = arith.constant 10000 : i32
    %broadcast_in_dim3A_91 = vector.broadcast %broadcast_in_dim3A_90 : i32 to vector<16xi32>
    %swap3A_92 = arith.constant 78 : i32
    %swap3A_93 = arith.index_cast %swap3A_92 : i32 to index
    %swap3A_94 = arith.constant 32 : index
    %swap3A_95 = tpu.vector_load %arg7[%swap3A_93, %swap3A_94] {strides = array<i32>} : memref<79x128xi32, #tpu.memory_space<vmem>>, vector<1x16xi32>,
    %swap3A_96 = vector.shape_cast %swap3A_95 : vector<1x16xi32> to vector<16xi32>
    %swap3A_97 = vector.shape_cast %broadcast_in_dim3A_91 : vector<16xi32> to vector<1x16xi32>
    tpu.vector_store %arg7[%swap3A_93, %swap3A_94], %swap3A_97 {strides = array<i32>} : memref<79x128xi32, #tpu.memory_space<vmem>>, vector<1x16xi32>,
    %broadcast_in_dim3A_98 = arith.constant 10000 : i32
    %broadcast_in_dim3A_99 = vector.broadcast %broadcast_in_dim3A_98 : i32 to vector<16xi32>
    %swap3A_100 = arith.constant 78 : i32
    %swap3A_101 = arith.index_cast %swap3A_100 : i32 to index
    %swap3A_102 = arith.constant 48 : index
    %swap3A_103 = tpu.vector_load %arg7[%swap3A_101, %swap3A_102] {strides = array<i32>} : memref<79x128xi32, #tpu.memory_space<vmem>>, vector<1x16xi32>,
    %swap3A_104 = vector.shape_cast %swap3A_103 : vector<1x16xi32> to vector<16xi32>
    %swap3A_105 = vector.shape_cast %broadcast_in_dim3A_99 : vector<16xi32> to vector<1x16xi32>
    tpu.vector_store %arg7[%swap3A_101, %swap3A_102], %swap3A_105 {strides = array<i32>} : memref<79x128xi32, #tpu.memory_space<vmem>>, vector<1x16xi32>,
    %broadcast_in_dim3A_106 = arith.constant 10000 : i32
    %broadcast_in_dim3A_107 = vector.broadcast %broadcast_in_dim3A_106 : i32 to vector<16xi32>
    %swap3A_108 = arith.constant 78 : i32
    %swap3A_109 = arith.index_cast %swap3A_108 : i32 to index
    %swap3A_110 = arith.constant 64 : index
    %swap3A_111 = tpu.vector_load %arg7[%swap3A_109, %swap3A_110] {strides = array<i32>} : memref<79x128xi32, #tpu.memory_space<vmem>>, vector<1x16xi32>,
    %swap3A_112 = vector.shape_cast %swap3A_111 : vector<1x16xi32> to vector<16xi32>
    %swap3A_113 = vector.shape_cast %broadcast_in_dim3A_107 : vector<16xi32> to vector<1x16xi32>
    tpu.vector_store %arg7[%swap3A_109, %swap3A_110], %swap3A_113 {strides = array<i32>} : memref<79x128xi32, #tpu.memory_space<vmem>>, vector<1x16xi32>,
    %broadcast_in_dim3A_114 = arith.constant 10000 : i32
    %broadcast_in_dim3A_115 = vector.broadcast %broadcast_in_dim3A_114 : i32 to vector<16xi32>
    %swap3A_116 = arith.constant 78 : i32
    %swap3A_117 = arith.index_cast %swap3A_116 : i32 to index
    %swap3A_118 = arith.constant 80 : index
    %swap3A_119 = tpu.vector_load %arg7[%swap3A_117, %swap3A_118] {strides = array<i32>} : memref<79x128xi32, #tpu.memory_space<vmem>>, vector<1x16xi32>,
    %swap3A_120 = vector.shape_cast %swap3A_119 : vector<1x16xi32> to vector<16xi32>
    %swap3A_121 = vector.shape_cast %broadcast_in_dim3A_115 : vector<16xi32> to vector<1x16xi32>
    tpu.vector_store %arg7[%swap3A_117, %swap3A_118], %swap3A_121 {strides = array<i32>} : memref<79x128xi32, #tpu.memory_space<vmem>>, vector<1x16xi32>,
    %broadcast_in_dim3A_122 = arith.constant 10000 : i32
    %broadcast_in_dim3A_123 = vector.broadcast %broadcast_in_dim3A_122 : i32 to vector<16xi32>
    %swap3A_124 = arith.constant 78 : i32
    %swap3A_125 = arith.index_cast %swap3A_124 : i32 to index
    %swap3A_126 = arith.constant 96 : index
    %swap3A_127 = tpu.vector_load %arg7[%swap3A_125, %swap3A_126] {strides = array<i32>} : memref<79x128xi32, #tpu.memory_space<vmem>>, vector<1x16xi32>,
    %swap3A_128 = vector.shape_cast %swap3A_127 : vector<1x16xi32> to vector<16xi32>
    %swap3A_129 = vector.shape_cast %broadcast_in_dim3A_123 : vector<16xi32> to vector<1x16xi32>
    tpu.vector_store %arg7[%swap3A_125, %swap3A_126], %swap3A_129 {strides = array<i32>} : memref<79x128xi32, #tpu.memory_space<vmem>>, vector<1x16xi32>,
    %broadcast_in_dim3A_130 = arith.constant 10000 : i32
    %broadcast_in_dim3A_131 = vector.broadcast %broadcast_in_dim3A_130 : i32 to vector<16xi32>
    %swap3A_132 = arith.constant 78 : i32
    %swap3A_133 = arith.index_cast %swap3A_132 : i32 to index
    %swap3A_134 = arith.constant 112 : index
    %swap3A_135 = tpu.vector_load %arg7[%swap3A_133, %swap3A_134] {strides = array<i32>} : memref<79x128xi32, #tpu.memory_space<vmem>>, vector<1x16xi32>,
    %swap3A_136 = vector.shape_cast %swap3A_135 : vector<1x16xi32> to vector<16xi32>
    %swap3A_137 = vector.shape_cast %broadcast_in_dim3A_131 : vector<16xi32> to vector<1x16xi32>
    tpu.vector_store %arg7[%swap3A_133, %swap3A_134], %swap3A_137 {strides = array<i32>} : memref<79x128xi32, #tpu.memory_space<vmem>>, vector<1x16xi32>,
    %scan3A_138 = arith.constant 0 : i32
    %scan3A_139 = arith.constant 0 : i32
    %scan3A_140 = arith.constant 78 : i32
    %scan3A_141 = arith.addi %scan3A_139, %scan3A_140 : i32
    %scan3A_142 = arith.constant 1 : i32
    scf.for %scan3A_185 = %scan3A_139 to %scan3A_141 step %scan3A_142  : i32 {
      %mul3A_186 = arith.constant 128 : i32
      %mul3A_187 = arith.muli %scan3A_185, %mul3A_186 : i32
      %add3A_188 = arith.addi %mul3A_2, %mul3A_187 : i32
      %dma_wait3A_189 = arith.constant 0 : i32
      %dma_wait3A_190 = tpu.memref_slice %arg7[%scan3A_185, %dma_wait3A_189] : memref<79x128xi32, #tpu.memory_space<vmem>> -> memref<1x128xi32, #tpu.memory_space<vmem>>
      %dma_wait3A_191 = tpu.memref_squeeze %dma_wait3A_190 : memref<1x128xi32, #tpu.memory_space<vmem>> -> memref<128xi32, #tpu.memory_space<vmem>>
      %dma_wait3A_192 = tpu.memref_slice %arg3[%add3A_188] : memref<320000xi32, #tpu.memory_space<hbm>> -> memref<128xi32, #tpu.memory_space<hbm>>
      %dma_wait3A_193 = arith.constant 0 : i32
      %dma_wait3A_194 = tpu.memref_slice %arg7[%scan3A_185, %dma_wait3A_193] : memref<79x128xi32, #tpu.memory_space<vmem>> -> memref<1x128xi32, #tpu.memory_space<vmem>>
      %dma_wait3A_195 = tpu.memref_squeeze %dma_wait3A_194 : memref<1x128xi32, #tpu.memory_space<vmem>> -> memref<128xi32, #tpu.memory_space<vmem>>
      %dma_wait3A_196 = tpu.memref_slice %arg3[%add3A_188] : memref<320000xi32, #tpu.memory_space<hbm>> -> memref<128xi32, #tpu.memory_space<hbm>>
      tpu.wait_dma2 semaphore(%arg12 : memref<!tpu.dma_semaphore, #tpu.memory_space<semaphore_mem>>) src(%dma_wait3A_196 : memref<128xi32, #tpu.memory_space<hbm>>) dst(%dma_wait3A_195 : memref<128xi32, #tpu.memory_space<vmem>>)
    }
    %scan3A_143 = arith.constant 78 : i32
    %dma_wait3A = arith.constant 78 : i32
    %dma_wait3A_144 = arith.constant 0 : i32
    %dma_wait3A_145 = tpu.memref_slice %arg7[%dma_wait3A, %dma_wait3A_144] : memref<79x128xi32, #tpu.memory_space<vmem>> -> memref<1x128xi32, #tpu.memory_space<vmem>>
    %dma_wait3A_146 = tpu.memref_squeeze %dma_wait3A_145 : memref<1x128xi32, #tpu.memory_space<vmem>> -> memref<128xi32, #tpu.memory_space<vmem>>
    %dma_wait3A_147 = arith.constant 0 : i32
    %dma_wait3A_148 = tpu.memref_slice %dma_wait3A_146[%dma_wait3A_147] : memref<128xi32, #tpu.memory_space<vmem>> -> memref<16xi32, #tpu.memory_space<vmem>>
    %dma_wait3A_149 = tpu.memref_slice %arg3[%add3A_22] : memref<320000xi32, #tpu.memory_space<hbm>> -> memref<16xi32, #tpu.memory_space<hbm>>
    %dma_wait3A_150 = arith.constant 0 : i32
    %dma_wait3A_151 = tpu.memref_slice %arg7[%dma_wait3A, %dma_wait3A_150] : memref<79x128xi32, #tpu.memory_space<vmem>> -> memref<1x128xi32, #tpu.memory_space<vmem>>
    %dma_wait3A_152 = tpu.memref_squeeze %dma_wait3A_151 : memref<1x128xi32, #tpu.memory_space<vmem>> -> memref<128xi32, #tpu.memory_space<vmem>>
    %dma_wait3A_153 = arith.constant 0 : i32
    %dma_wait3A_154 = tpu.memref_slice %dma_wait3A_152[%dma_wait3A_153] : memref<128xi32, #tpu.memory_space<vmem>> -> memref<16xi32, #tpu.memory_space<vmem>>
    %dma_wait3A_155 = tpu.memref_slice %arg3[%add3A_22] : memref<320000xi32, #tpu.memory_space<hbm>> -> memref<16xi32, #tpu.memory_space<hbm>>
    tpu.wait_dma2 semaphore(%arg12 : memref<!tpu.dma_semaphore, #tpu.memory_space<semaphore_mem>>) src(%dma_wait3A_155 : memref<16xi32, #tpu.memory_space<hbm>>) dst(%dma_wait3A_154 : memref<16xi32, #tpu.memory_space<vmem>>)
    %dma_wait3A_156 = arith.constant 0 : i32
    %dma_wait3A_157 = tpu.memref_slice %arg6[%dma_wait3A_156] : memref<10112xi32, #tpu.memory_space<vmem>> -> memref<10000xi32, #tpu.memory_space<vmem>>
    %dma_wait3A_158 = tpu.memref_slice %arg2[%mul3A_2] : memref<320000xi32, #tpu.memory_space<hbm>> -> memref<10000xi32, #tpu.memory_space<hbm>>
    %dma_wait3A_159 = arith.constant 0 : i32
    %dma_wait3A_160 = tpu.memref_slice %arg6[%dma_wait3A_159] : memref<10112xi32, #tpu.memory_space<vmem>> -> memref<10000xi32, #tpu.memory_space<vmem>>
    %dma_wait3A_161 = tpu.memref_slice %arg2[%mul3A_2] : memref<320000xi32, #tpu.memory_space<hbm>> -> memref<10000xi32, #tpu.memory_space<hbm>>
    tpu.wait_dma2 semaphore(%arg12 : memref<!tpu.dma_semaphore, #tpu.memory_space<semaphore_mem>>) src(%dma_wait3A_161 : memref<10000xi32, #tpu.memory_space<hbm>>) dst(%dma_wait3A_160 : memref<10000xi32, #tpu.memory_space<vmem>>)
    %barrier3A = arith.constant 0 : index
    tpu.barrier barrier_id(%barrier3A)
    %dma_start3A_162 = arith.constant 0 : i32
    %dma_start3A_163 = arith.constant 0 : i32
    %dma_start3A_164 = arith.constant 0 : i32
    %dma_start3A_165 = tpu.memref_slice %arg8[%dma_start3A_162, %dma_start3A_163, %dma_start3A_164] : memref<2x128x16xf32, #tpu.memory_space<vmem>> -> memref<1x128x16xf32, #tpu.memory_space<vmem>>
    %dma_start3A_166 = tpu.memref_squeeze %dma_start3A_165 : memref<1x128x16xf32, #tpu.memory_space<vmem>> -> memref<128x16xf32, #tpu.memory_space<vmem>>
    %dma_start3A_167 = arith.constant 0 : i32
    %dma_start3A_168 = tpu.memref_slice %arg6[%dma_start3A_167] : memref<10112xi32, #tpu.memory_space<vmem>> -> memref<128xi32, #tpu.memory_space<vmem>>
    %dma_start3A_169 = arith.constant 0 : i32
    %dma_start3A_170 = arith.constant 0 : i32
    %dma_start3A_171 = tpu.memref_slice %arg4[%dma_start3A_169, %dma_start3A_170] : memref<10000x16xf32, #tpu.memory_space<hbm>> -> memref<10000x16xf32, #tpu.memory_space<hbm>>
    tpu.enqueue_indirect_dma source(%dma_start3A_171 : memref<10000x16xf32, #tpu.memory_space<hbm>>) target(%dma_start3A_166 : memref<128x16xf32, #tpu.memory_space<vmem>>) offsets(%dma_start3A_168 : memref<128xi32, #tpu.memory_space<vmem>>) semaphore(%arg11 : memref<!tpu.dma_semaphore, #tpu.memory_space<semaphore_mem>>)
    %scan3A_172 = arith.constant 0 : i32
    %scan3A_173 = arith.constant 0 : i32
    %scan3A_174 = arith.constant 79 : i32
    %scan3A_175 = arith.addi %scan3A_173, %scan3A_174 : i32
    %scan3A_176 = arith.constant 1 : i32
    scf.for %scan3A_185 = %scan3A_173 to %scan3A_175 step %scan3A_176  : i32 {
      %rem3A = arith.constant 2 : i32
      %rem3A_186 = arith.remsi %scan3A_185, %rem3A : i32
      %mul3A_187 = arith.constant 128 : i32
      %mul3A_188 = arith.muli %scan3A_185, %mul3A_187 : i32
      %dma_wait3A_189 = arith.constant 0 : i32
      %dma_wait3A_190 = arith.constant 0 : i32
      %dma_wait3A_191 = tpu.memref_slice %arg8[%rem3A_186, %dma_wait3A_189, %dma_wait3A_190] : memref<2x128x16xf32, #tpu.memory_space<vmem>> -> memref<1x128x16xf32, #tpu.memory_space<vmem>>
      %dma_wait3A_192 = tpu.memref_squeeze %dma_wait3A_191 : memref<1x128x16xf32, #tpu.memory_space<vmem>> -> memref<128x16xf32, #tpu.memory_space<vmem>>
      %dma_wait3A_193 = tpu.memref_slice %arg6[%mul3A_188] : memref<10112xi32, #tpu.memory_space<vmem>> -> memref<128xi32, #tpu.memory_space<vmem>>
      %dma_wait3A_194 = arith.constant 0 : i32
      %dma_wait3A_195 = arith.constant 0 : i32
      %dma_wait3A_196 = tpu.memref_slice %arg4[%dma_wait3A_194, %dma_wait3A_195] : memref<10000x16xf32, #tpu.memory_space<hbm>> -> memref<10000x16xf32, #tpu.memory_space<hbm>>
      tpu.wait_indirect_dma semaphore(%arg11 : memref<!tpu.dma_semaphore, #tpu.memory_space<semaphore_mem>>) src(%dma_wait3A_196 : memref<10000x16xf32, #tpu.memory_space<hbm>>) dst(%dma_wait3A_192 : memref<128x16xf32, #tpu.memory_space<vmem>>)
      %add3A_197 = arith.constant 1 : i32
      %add3A_198 = arith.addi %scan3A_185, %add3A_197 : i32
      %lt3A = arith.constant 79 : i32
      %lt3A_199 = arith.cmpi slt, %add3A_198, %lt3A : i32
      %convert_element_type3A = arith.extui %lt3A_199 : i1 to i32
      %cond3A = arith.constant 0 : i32
      %cond3A_200 = arith.cmpi ne, %convert_element_type3A, %cond3A : i32
      scf.if %cond3A_200 {
        %add3A_201 = arith.constant 1 : i32
        %add3A_202 = arith.addi %scan3A_185, %add3A_201 : i32
        %sub3A = arith.constant 1 : i32
        %sub3A_203 = arith.subi %sub3A, %rem3A_186 : i32
        %mul3A_204 = arith.constant 128 : i32
        %mul3A_205 = arith.muli %add3A_202, %mul3A_204 : i32
        %dma_start3A_206 = arith.constant 0 : i32
        %dma_start3A_207 = arith.constant 0 : i32
        %dma_start3A_208 = tpu.memref_slice %arg8[%sub3A_203, %dma_start3A_206, %dma_start3A_207] : memref<2x128x16xf32, #tpu.memory_space<vmem>> -> memref<1x128x16xf32, #tpu.memory_space<vmem>>
        %dma_start3A_209 = tpu.memref_squeeze %dma_start3A_208 : memref<1x128x16xf32, #tpu.memory_space<vmem>> -> memref<128x16xf32, #tpu.memory_space<vmem>>
        %dma_start3A_210 = tpu.memref_slice %arg6[%mul3A_205] : memref<10112xi32, #tpu.memory_space<vmem>> -> memref<128xi32, #tpu.memory_space<vmem>>
        %dma_start3A_211 = arith.constant 0 : i32
        %dma_start3A_212 = arith.constant 0 : i32
        %dma_start3A_213 = tpu.memref_slice %arg4[%dma_start3A_211, %dma_start3A_212] : memref<10000x16xf32, #tpu.memory_space<hbm>> -> memref<10000x16xf32, #tpu.memory_space<hbm>>
        tpu.enqueue_indirect_dma source(%dma_start3A_213 : memref<10000x16xf32, #tpu.memory_space<hbm>>) target(%dma_start3A_209 : memref<128x16xf32, #tpu.memory_space<vmem>>) offsets(%dma_start3A_210 : memref<128xi32, #tpu.memory_space<vmem>>) semaphore(%arg11 : memref<!tpu.dma_semaphore, #tpu.memory_space<semaphore_mem>>)
      } else {
      }
      "tpu.region"() ({
        %run_scoped3A = tpu.sem_alloc : memref<!tpu.dma_semaphore, #tpu.memory_space<semaphore_mem>>
        %dma_start3A_201 = arith.constant 0 : i32
        %dma_start3A_202 = arith.constant 0 : i32
        %dma_start3A_203 = tpu.memref_slice %arg8[%rem3A_186, %dma_start3A_201, %dma_start3A_202] : memref<2x128x16xf32, #tpu.memory_space<vmem>> -> memref<1x128x16xf32, #tpu.memory_space<vmem>>
        %dma_start3A_204 = tpu.memref_squeeze %dma_start3A_203 : memref<1x128x16xf32, #tpu.memory_space<vmem>> -> memref<128x16xf32, #tpu.memory_space<vmem>>
        %dma_start3A_205 = arith.constant 0 : i32
        %dma_start3A_206 = tpu.memref_slice %arg7[%scan3A_185, %dma_start3A_205] : memref<79x128xi32, #tpu.memory_space<vmem>> -> memref<1x128xi32, #tpu.memory_space<vmem>>
        %dma_start3A_207 = tpu.memref_squeeze %dma_start3A_206 : memref<1x128xi32, #tpu.memory_space<vmem>> -> memref<128xi32, #tpu.memory_space<vmem>>
        %dma_start3A_208 = arith.constant 0 : i32
        %dma_start3A_209 = arith.constant 0 : i32
        %dma_start3A_210 = tpu.memref_slice %arg10[%dma_start3A_208, %dma_start3A_209] : memref<10240x16xf32, #tpu.memory_space<vmem_shared>> -> memref<10240x16xf32, #tpu.memory_space<vmem_shared>>
        tpu.enqueue_indirect_dma source(%dma_start3A_204 : memref<128x16xf32, #tpu.memory_space<vmem>>) target(%dma_start3A_210 : memref<10240x16xf32, #tpu.memory_space<vmem_shared>>) offsets(%dma_start3A_207 : memref<128xi32, #tpu.memory_space<vmem>>) semaphore(%run_scoped3A : memref<!tpu.dma_semaphore, #tpu.memory_space<semaphore_mem>>) {add = true}
        %dma_wait3A_211 = arith.constant 0 : i32
        %dma_wait3A_212 = arith.constant 0 : i32
        %dma_wait3A_213 = tpu.memref_slice %arg8[%rem3A_186, %dma_wait3A_211, %dma_wait3A_212] : memref<2x128x16xf32, #tpu.memory_space<vmem>> -> memref<1x128x16xf32, #tpu.memory_space<vmem>>
        %dma_wait3A_214 = tpu.memref_squeeze %dma_wait3A_213 : memref<1x128x16xf32, #tpu.memory_space<vmem>> -> memref<128x16xf32, #tpu.memory_space<vmem>>
        %dma_wait3A_215 = arith.constant 0 : i32
        %dma_wait3A_216 = tpu.memref_slice %arg7[%scan3A_185, %dma_wait3A_215] : memref<79x128xi32, #tpu.memory_space<vmem>> -> memref<1x128xi32, #tpu.memory_space<vmem>>
        %dma_wait3A_217 = tpu.memref_squeeze %dma_wait3A_216 : memref<1x128xi32, #tpu.memory_space<vmem>> -> memref<128xi32, #tpu.memory_space<vmem>>
        %dma_wait3A_218 = arith.constant 0 : i32
        %dma_wait3A_219 = arith.constant 0 : i32
        %dma_wait3A_220 = tpu.memref_slice %arg10[%dma_wait3A_218, %dma_wait3A_219] : memref<10240x16xf32, #tpu.memory_space<vmem_shared>> -> memref<10240x16xf32, #tpu.memory_space<vmem_shared>>
        tpu.wait_indirect_dma semaphore(%run_scoped3A : memref<!tpu.dma_semaphore, #tpu.memory_space<semaphore_mem>>) src(%dma_wait3A_214 : memref<128x16xf32, #tpu.memory_space<vmem>>) dst(%dma_wait3A_220 : memref<10240x16xf32, #tpu.memory_space<vmem_shared>>)
        tpu.yield
      }) : () -> ()
    }
    %scan3A_177 = arith.constant 79 : i32
    %barrier3A_178 = arith.constant 0 : index
    tpu.barrier barrier_id(%barrier3A_178)
    %scan3A_179 = arith.constant 0 : i32
    %scan3A_180 = arith.constant 0 : i32
    %scan3A_181 = arith.constant 4 : i32
    %scan3A_182 = arith.addi %scan3A_180, %scan3A_181 : i32
    %scan3A_183 = arith.constant 1 : i32
    scf.for %scan3A_185 = %scan3A_180 to %scan3A_182 step %scan3A_183  : i32 {
      %mul3A_186 = arith.constant 640 : i32
      %mul3A_187 = arith.muli %arg1, %mul3A_186 : i32
      %mul3A_188 = arith.constant 160 : i32
      %mul3A_189 = arith.muli %scan3A_185, %mul3A_188 : i32
      %add3A_190 = arith.addi %mul3A_187, %mul3A_189 : i32
      "tpu.region"() ({
        %run_scoped3A = tpu.sem_alloc : memref<!tpu.dma_semaphore, #tpu.memory_space<semaphore_mem>>
        %dma_start3A_191 = arith.constant 0 : i32
        %dma_start3A_192 = tpu.memref_slice %arg10[%add3A_190, %dma_start3A_191] : memref<10240x16xf32, #tpu.memory_space<vmem_shared>> -> memref<160x16xf32, #tpu.memory_space<vmem_shared>>
        %dma_start3A_193 = arith.constant 0 : i32
        %dma_start3A_194 = tpu.memref_slice %arg10[%add3A_190, %dma_start3A_193] : memref<10240x16xf32, #tpu.memory_space<vmem_shared>> -> memref<160x16xf32, #tpu.memory_space<vmem_shared>>
        tpu.enqueue_dma source(%dma_start3A_194 : memref<160x16xf32, #tpu.memory_space<vmem_shared>>) target(%arg9 : memref<160x16xf32, #tpu.memory_space<vmem>>) target_semaphore(%run_scoped3A : memref<!tpu.dma_semaphore, #tpu.memory_space<semaphore_mem>>)
        %dma_wait3A_195 = arith.constant 0 : i32
        %dma_wait3A_196 = tpu.memref_slice %arg10[%add3A_190, %dma_wait3A_195] : memref<10240x16xf32, #tpu.memory_space<vmem_shared>> -> memref<160x16xf32, #tpu.memory_space<vmem_shared>>
        %dma_wait3A_197 = arith.constant 0 : i32
        %dma_wait3A_198 = tpu.memref_slice %arg10[%add3A_190, %dma_wait3A_197] : memref<10240x16xf32, #tpu.memory_space<vmem_shared>> -> memref<160x16xf32, #tpu.memory_space<vmem_shared>>
        tpu.wait_dma2 semaphore(%run_scoped3A : memref<!tpu.dma_semaphore, #tpu.memory_space<semaphore_mem>>) src(%dma_wait3A_198 : memref<160x16xf32, #tpu.memory_space<vmem_shared>>) dst(%arg9 : memref<160x16xf32, #tpu.memory_space<vmem>>)
        tpu.yield
      }) : () -> ()
      "tpu.region"() ({
        %run_scoped3A = tpu.sem_alloc : memref<!tpu.dma_semaphore, #tpu.memory_space<semaphore_mem>>
        %dma_start3A_191 = arith.constant 0 : i32
        %dma_start3A_192 = arith.constant 0 : i32
        %dma_start3A_193 = tpu.memref_slice %arg5[%arg0, %dma_start3A_191, %dma_start3A_192] : memref<2x10240x16xf32, #tpu.memory_space<hbm>> -> memref<1x10240x16xf32, #tpu.memory_space<hbm>>
        %dma_start3A_194 = tpu.memref_squeeze %dma_start3A_193 : memref<1x10240x16xf32, #tpu.memory_space<hbm>> -> memref<10240x16xf32, #tpu.memory_space<hbm>>
        %dma_start3A_195 = arith.constant 0 : i32
        %dma_start3A_196 = tpu.memref_slice %dma_start3A_194[%add3A_190, %dma_start3A_195] : memref<10240x16xf32, #tpu.memory_space<hbm>> -> memref<160x16xf32, #tpu.memory_space<hbm>>
        %dma_start3A_197 = arith.constant 0 : i32
        %dma_start3A_198 = arith.constant 0 : i32
        %dma_start3A_199 = tpu.memref_slice %arg5[%arg0, %dma_start3A_197, %dma_start3A_198] : memref<2x10240x16xf32, #tpu.memory_space<hbm>> -> memref<1x10240x16xf32, #tpu.memory_space<hbm>>
        %dma_start3A_200 = tpu.memref_squeeze %dma_start3A_199 : memref<1x10240x16xf32, #tpu.memory_space<hbm>> -> memref<10240x16xf32, #tpu.memory_space<hbm>>
        %dma_start3A_201 = arith.constant 0 : i32
        %dma_start3A_202 = tpu.memref_slice %dma_start3A_200[%add3A_190, %dma_start3A_201] : memref<10240x16xf32, #tpu.memory_space<hbm>> -> memref<160x16xf32, #tpu.memory_space<hbm>>
        tpu.enqueue_dma source(%arg9 : memref<160x16xf32, #tpu.memory_space<vmem>>) target(%dma_start3A_202 : memref<160x16xf32, #tpu.memory_space<hbm>>) target_semaphore(%run_scoped3A : memref<!tpu.dma_semaphore, #tpu.memory_space<semaphore_mem>>)
        %dma_wait3A_203 = arith.constant 0 : i32
        %dma_wait3A_204 = arith.constant 0 : i32
        %dma_wait3A_205 = tpu.memref_slice %arg5[%arg0, %dma_wait3A_203, %dma_wait3A_204] : memref<2x10240x16xf32, #tpu.memory_space<hbm>> -> memref<1x10240x16xf32, #tpu.memory_space<hbm>>
        %dma_wait3A_206 = tpu.memref_squeeze %dma_wait3A_205 : memref<1x10240x16xf32, #tpu.memory_space<hbm>> -> memref<10240x16xf32, #tpu.memory_space<hbm>>
        %dma_wait3A_207 = arith.constant 0 : i32
        %dma_wait3A_208 = tpu.memref_slice %dma_wait3A_206[%add3A_190, %dma_wait3A_207] : memref<10240x16xf32, #tpu.memory_space<hbm>> -> memref<160x16xf32, #tpu.memory_space<hbm>>
        %dma_wait3A_209 = arith.constant 0 : i32
        %dma_wait3A_210 = arith.constant 0 : i32
        %dma_wait3A_211 = tpu.memref_slice %arg5[%arg0, %dma_wait3A_209, %dma_wait3A_210] : memref<2x10240x16xf32, #tpu.memory_space<hbm>> -> memref<1x10240x16xf32, #tpu.memory_space<hbm>>
        %dma_wait3A_212 = tpu.memref_squeeze %dma_wait3A_211 : memref<1x10240x16xf32, #tpu.memory_space<hbm>> -> memref<10240x16xf32, #tpu.memory_space<hbm>>
        %dma_wait3A_213 = arith.constant 0 : i32
        %dma_wait3A_214 = tpu.memref_slice %dma_wait3A_212[%add3A_190, %dma_wait3A_213] : memref<10240x16xf32, #tpu.memory_space<hbm>> -> memref<160x16xf32, #tpu.memory_space<hbm>>
        tpu.wait_dma2 semaphore(%run_scoped3A : memref<!tpu.dma_semaphore, #tpu.memory_space<semaphore_mem>>) src(%arg9 : memref<160x16xf32, #tpu.memory_space<vmem>>) dst(%dma_wait3A_214 : memref<160x16xf32, #tpu.memory_space<hbm>>)
        tpu.yield
      }) : () -> ()
    }
    %scan3A_184 = arith.constant 4 : i32
    return
  }
}

#map = affine_map<(d0, d1) -> (0)>
#map1 = affine_map<(d0, d1) -> (0, 0)>
#map2 = affine_map<(d0, d1) -> (0, 0, 0)>
module attributes {stable_mosaic.version = 14 : i64} {
  func.func @body(%arg0: i32, %arg1: i32, %arg2: memref<320000xi32, #tpu.memory_space<hbm>>, %arg3: memref<320000xi32, #tpu.memory_space<hbm>>, %arg4: memref<10000x32xf32, #tpu.memory_space<hbm>>, %arg5: memref<2x10240x32xf32, #tpu.memory_space<hbm>>, %arg6: memref<10112xi32, #tpu.memory_space<vmem>>, %arg7: memref<79x128xi32, #tpu.memory_space<vmem>>, %arg8: memref<2x128x32xf32, #tpu.memory_space<vmem>>, %arg9: memref<160x32xf32, #tpu.memory_space<vmem>>, %arg10: memref<10240x32xf32, #tpu.memory_space<vmem_shared>>, %arg11: memref<!tpu.dma_semaphore, #tpu.memory_space<semaphore_mem>>, %arg12: memref<!tpu.dma_semaphore, #tpu.memory_space<semaphore_mem>>) attributes {dimension_semantics = [#tpu.dimension_semantics<core_parallel>, #tpu.dimension_semantics<subcore_parallel>], iteration_bounds = array<i64: 2, 16>, scalar_prefetch = 0 : i64, scratch_operands = 7 : i64, tpu.core_type = #tpu.core_type<sc_vector_subcore>, window_params = [{transform_indices = #map}, {transform_indices = #map}, {transform_indices = #map1}, {transform_indices = #map2}]} {
    %mul3A = arith.constant 2 : i32
    %mul3A_0 = arith.muli %arg1, %mul3A : i32
    %add3A = arith.addi %mul3A_0, %arg0 : i32
    %mul3A_1 = arith.constant 10000 : i32
    %mul3A_2 = arith.muli %add3A, %mul3A_1 : i32
    %broadcast_in_dim3A = arith.constant 0.000000e+00 : f32
    %broadcast_in_dim3A_3 = vector.broadcast %broadcast_in_dim3A : f32 to vector<16xf32>
    %scan3A = arith.constant 0 : i32
    %scan3A_4 = arith.constant 0 : i32
    %scan3A_5 = arith.constant 160 : i32
    %scan3A_6 = arith.addi %scan3A_4, %scan3A_5 : i32
    %scan3A_7 = arith.constant 1 : i32
    scf.for %scan3A_185 = %scan3A_4 to %scan3A_6 step %scan3A_7  : i32 {
      %swap3A_186 = arith.index_cast %scan3A_185 : i32 to index
      %swap3A_187 = arith.constant 0 : index
      %swap3A_188 = tpu.vector_load %arg9[%swap3A_186, %swap3A_187] {strides = array<i32>} : memref<160x32xf32, #tpu.memory_space<vmem>>, vector<1x16xf32>,
      %swap3A_189 = vector.shape_cast %swap3A_188 : vector<1x16xf32> to vector<16xf32>
      %swap3A_190 = vector.shape_cast %broadcast_in_dim3A_3 : vector<16xf32> to vector<1x16xf32>
      tpu.vector_store %arg9[%swap3A_186, %swap3A_187], %swap3A_190 {strides = array<i32>} : memref<160x32xf32, #tpu.memory_space<vmem>>, vector<1x16xf32>,
      %swap3A_191 = arith.index_cast %scan3A_185 : i32 to index
      %swap3A_192 = arith.constant 16 : index
      %swap3A_193 = tpu.vector_load %arg9[%swap3A_191, %swap3A_192] {strides = array<i32>} : memref<160x32xf32, #tpu.memory_space<vmem>>, vector<1x16xf32>,
      %swap3A_194 = vector.shape_cast %swap3A_193 : vector<1x16xf32> to vector<16xf32>
      %swap3A_195 = vector.shape_cast %broadcast_in_dim3A_3 : vector<16xf32> to vector<1x16xf32>
      tpu.vector_store %arg9[%swap3A_191, %swap3A_192], %swap3A_195 {strides = array<i32>} : memref<160x32xf32, #tpu.memory_space<vmem>>, vector<1x16xf32>,
    }
    %scan3A_8 = arith.constant 160 : i32
    %scan3A_9 = arith.constant 0 : i32
    %scan3A_10 = arith.constant 0 : i32
    %scan3A_11 = arith.constant 4 : i32
    %scan3A_12 = arith.addi %scan3A_10, %scan3A_11 : i32
    %scan3A_13 = arith.constant 1 : i32
    scf.for %scan3A_185 = %scan3A_10 to %scan3A_12 step %scan3A_13  : i32 {
      %mul3A_186 = arith.constant 640 : i32
      %mul3A_187 = arith.muli %arg1, %mul3A_186 : i32
      %mul3A_188 = arith.constant 160 : i32
      %mul3A_189 = arith.muli %scan3A_185, %mul3A_188 : i32
      %add3A_190 = arith.addi %mul3A_187, %mul3A_189 : i32
      "tpu.region"() ({
        %run_scoped3A = tpu.sem_alloc : memref<!tpu.dma_semaphore, #tpu.memory_space<semaphore_mem>>
        %dma_start3A_191 = arith.constant 0 : i32
        %dma_start3A_192 = tpu.memref_slice %arg10[%add3A_190, %dma_start3A_191] : memref<10240x32xf32, #tpu.memory_space<vmem_shared>> -> memref<160x32xf32, #tpu.memory_space<vmem_shared>>
        %dma_start3A_193 = arith.constant 0 : i32
        %dma_start3A_194 = tpu.memref_slice %arg10[%add3A_190, %dma_start3A_193] : memref<10240x32xf32, #tpu.memory_space<vmem_shared>> -> memref<160x32xf32, #tpu.memory_space<vmem_shared>>
        tpu.enqueue_dma source(%arg9 : memref<160x32xf32, #tpu.memory_space<vmem>>) target(%dma_start3A_194 : memref<160x32xf32, #tpu.memory_space<vmem_shared>>) target_semaphore(%run_scoped3A : memref<!tpu.dma_semaphore, #tpu.memory_space<semaphore_mem>>)
        %dma_wait3A_195 = arith.constant 0 : i32
        %dma_wait3A_196 = tpu.memref_slice %arg10[%add3A_190, %dma_wait3A_195] : memref<10240x32xf32, #tpu.memory_space<vmem_shared>> -> memref<160x32xf32, #tpu.memory_space<vmem_shared>>
        %dma_wait3A_197 = arith.constant 0 : i32
        %dma_wait3A_198 = tpu.memref_slice %arg10[%add3A_190, %dma_wait3A_197] : memref<10240x32xf32, #tpu.memory_space<vmem_shared>> -> memref<160x32xf32, #tpu.memory_space<vmem_shared>>
        tpu.wait_dma2 semaphore(%run_scoped3A : memref<!tpu.dma_semaphore, #tpu.memory_space<semaphore_mem>>) src(%arg9 : memref<160x32xf32, #tpu.memory_space<vmem>>) dst(%dma_wait3A_198 : memref<160x32xf32, #tpu.memory_space<vmem_shared>>)
        tpu.yield
      }) : () -> ()
    }
    %scan3A_14 = arith.constant 4 : i32
    %scan3A_15 = arith.constant 0 : i32
    %scan3A_16 = arith.constant 0 : i32
    %scan3A_17 = arith.constant 78 : i32
    %scan3A_18 = arith.addi %scan3A_16, %scan3A_17 : i32
    %scan3A_19 = arith.constant 1 : i32
    scf.for %scan3A_185 = %scan3A_16 to %scan3A_18 step %scan3A_19  : i32 {
      %mul3A_186 = arith.constant 128 : i32
      %mul3A_187 = arith.muli %scan3A_185, %mul3A_186 : i32
      %add3A_188 = arith.addi %mul3A_2, %mul3A_187 : i32
      %dma_start3A_189 = arith.constant 0 : i32
      %dma_start3A_190 = tpu.memref_slice %arg7[%scan3A_185, %dma_start3A_189] : memref<79x128xi32, #tpu.memory_space<vmem>> -> memref<1x128xi32, #tpu.memory_space<vmem>>
      %dma_start3A_191 = tpu.memref_squeeze %dma_start3A_190 : memref<1x128xi32, #tpu.memory_space<vmem>> -> memref<128xi32, #tpu.memory_space<vmem>>
      %dma_start3A_192 = tpu.memref_slice %arg3[%add3A_188] : memref<320000xi32, #tpu.memory_space<hbm>> -> memref<128xi32, #tpu.memory_space<hbm>>
      %dma_start3A_193 = arith.constant 0 : i32
      %dma_start3A_194 = tpu.memref_slice %arg7[%scan3A_185, %dma_start3A_193] : memref<79x128xi32, #tpu.memory_space<vmem>> -> memref<1x128xi32, #tpu.memory_space<vmem>>
      %dma_start3A_195 = tpu.memref_squeeze %dma_start3A_194 : memref<1x128xi32, #tpu.memory_space<vmem>> -> memref<128xi32, #tpu.memory_space<vmem>>
      %dma_start3A_196 = tpu.memref_slice %arg3[%add3A_188] : memref<320000xi32, #tpu.memory_space<hbm>> -> memref<128xi32, #tpu.memory_space<hbm>>
      tpu.enqueue_dma source(%dma_start3A_196 : memref<128xi32, #tpu.memory_space<hbm>>) target(%dma_start3A_195 : memref<128xi32, #tpu.memory_space<vmem>>) target_semaphore(%arg12 : memref<!tpu.dma_semaphore, #tpu.memory_space<semaphore_mem>>)
    }
    %scan3A_20 = arith.constant 78 : i32
    %add3A_21 = arith.constant 9984 : i32
    %add3A_22 = arith.addi %mul3A_2, %add3A_21 : i32
    %dma_start3A = arith.constant 78 : i32
    %dma_start3A_23 = arith.constant 0 : i32
    %dma_start3A_24 = tpu.memref_slice %arg7[%dma_start3A, %dma_start3A_23] : memref<79x128xi32, #tpu.memory_space<vmem>> -> memref<1x128xi32, #tpu.memory_space<vmem>>
    %dma_start3A_25 = tpu.memref_squeeze %dma_start3A_24 : memref<1x128xi32, #tpu.memory_space<vmem>> -> memref<128xi32, #tpu.memory_space<vmem>>
    %dma_start3A_26 = arith.constant 0 : i32
    %dma_start3A_27 = tpu.memref_slice %dma_start3A_25[%dma_start3A_26] : memref<128xi32, #tpu.memory_space<vmem>> -> memref<16xi32, #tpu.memory_space<vmem>>
    %dma_start3A_28 = tpu.memref_slice %arg3[%add3A_22] : memref<320000xi32, #tpu.memory_space<hbm>> -> memref<16xi32, #tpu.memory_space<hbm>>
    %dma_start3A_29 = arith.constant 0 : i32
    %dma_start3A_30 = tpu.memref_slice %arg7[%dma_start3A, %dma_start3A_29] : memref<79x128xi32, #tpu.memory_space<vmem>> -> memref<1x128xi32, #tpu.memory_space<vmem>>
    %dma_start3A_31 = tpu.memref_squeeze %dma_start3A_30 : memref<1x128xi32, #tpu.memory_space<vmem>> -> memref<128xi32, #tpu.memory_space<vmem>>
    %dma_start3A_32 = arith.constant 0 : i32
    %dma_start3A_33 = tpu.memref_slice %dma_start3A_31[%dma_start3A_32] : memref<128xi32, #tpu.memory_space<vmem>> -> memref<16xi32, #tpu.memory_space<vmem>>
    %dma_start3A_34 = tpu.memref_slice %arg3[%add3A_22] : memref<320000xi32, #tpu.memory_space<hbm>> -> memref<16xi32, #tpu.memory_space<hbm>>
    tpu.enqueue_dma source(%dma_start3A_34 : memref<16xi32, #tpu.memory_space<hbm>>) target(%dma_start3A_33 : memref<16xi32, #tpu.memory_space<vmem>>) target_semaphore(%arg12 : memref<!tpu.dma_semaphore, #tpu.memory_space<semaphore_mem>>)
    %dma_start3A_35 = arith.constant 0 : i32
    %dma_start3A_36 = tpu.memref_slice %arg6[%dma_start3A_35] : memref<10112xi32, #tpu.memory_space<vmem>> -> memref<10000xi32, #tpu.memory_space<vmem>>
    %dma_start3A_37 = tpu.memref_slice %arg2[%mul3A_2] : memref<320000xi32, #tpu.memory_space<hbm>> -> memref<10000xi32, #tpu.memory_space<hbm>>
    %dma_start3A_38 = arith.constant 0 : i32
    %dma_start3A_39 = tpu.memref_slice %arg6[%dma_start3A_38] : memref<10112xi32, #tpu.memory_space<vmem>> -> memref<10000xi32, #tpu.memory_space<vmem>>
    %dma_start3A_40 = tpu.memref_slice %arg2[%mul3A_2] : memref<320000xi32, #tpu.memory_space<hbm>> -> memref<10000xi32, #tpu.memory_space<hbm>>
    tpu.enqueue_dma source(%dma_start3A_40 : memref<10000xi32, #tpu.memory_space<hbm>>) target(%dma_start3A_39 : memref<10000xi32, #tpu.memory_space<vmem>>) target_semaphore(%arg12 : memref<!tpu.dma_semaphore, #tpu.memory_space<semaphore_mem>>)
    %broadcast_in_dim3A_41 = arith.constant 0 : i32
    %broadcast_in_dim3A_42 = vector.broadcast %broadcast_in_dim3A_41 : i32 to vector<16xi32>
    %swap3A = arith.constant 10000 : index
    %swap3A_43 = tpu.vector_load %arg6[%swap3A] {strides = array<i32>} : memref<10112xi32, #tpu.memory_space<vmem>>, vector<16xi32>,
    %swap3A_44 = vector.shape_cast %swap3A_43 : vector<16xi32> to vector<16xi32>
    %swap3A_45 = vector.shape_cast %broadcast_in_dim3A_42 : vector<16xi32> to vector<16xi32>
    tpu.vector_store %arg6[%swap3A], %swap3A_45 {strides = array<i32>} : memref<10112xi32, #tpu.memory_space<vmem>>, vector<16xi32>,
    %broadcast_in_dim3A_46 = arith.constant 0 : i32
    %broadcast_in_dim3A_47 = vector.broadcast %broadcast_in_dim3A_46 : i32 to vector<16xi32>
    %swap3A_48 = arith.constant 10016 : index
    %swap3A_49 = tpu.vector_load %arg6[%swap3A_48] {strides = array<i32>} : memref<10112xi32, #tpu.memory_space<vmem>>, vector<16xi32>,
    %swap3A_50 = vector.shape_cast %swap3A_49 : vector<16xi32> to vector<16xi32>
    %swap3A_51 = vector.shape_cast %broadcast_in_dim3A_47 : vector<16xi32> to vector<16xi32>
    tpu.vector_store %arg6[%swap3A_48], %swap3A_51 {strides = array<i32>} : memref<10112xi32, #tpu.memory_space<vmem>>, vector<16xi32>,
    %broadcast_in_dim3A_52 = arith.constant 0 : i32
    %broadcast_in_dim3A_53 = vector.broadcast %broadcast_in_dim3A_52 : i32 to vector<16xi32>
    %swap3A_54 = arith.constant 10032 : index
    %swap3A_55 = tpu.vector_load %arg6[%swap3A_54] {strides = array<i32>} : memref<10112xi32, #tpu.memory_space<vmem>>, vector<16xi32>,
    %swap3A_56 = vector.shape_cast %swap3A_55 : vector<16xi32> to vector<16xi32>
    %swap3A_57 = vector.shape_cast %broadcast_in_dim3A_53 : vector<16xi32> to vector<16xi32>
    tpu.vector_store %arg6[%swap3A_54], %swap3A_57 {strides = array<i32>} : memref<10112xi32, #tpu.memory_space<vmem>>, vector<16xi32>,
    %broadcast_in_dim3A_58 = arith.constant 0 : i32
    %broadcast_in_dim3A_59 = vector.broadcast %broadcast_in_dim3A_58 : i32 to vector<16xi32>
    %swap3A_60 = arith.constant 10048 : index
    %swap3A_61 = tpu.vector_load %arg6[%swap3A_60] {strides = array<i32>} : memref<10112xi32, #tpu.memory_space<vmem>>, vector<16xi32>,
    %swap3A_62 = vector.shape_cast %swap3A_61 : vector<16xi32> to vector<16xi32>
    %swap3A_63 = vector.shape_cast %broadcast_in_dim3A_59 : vector<16xi32> to vector<16xi32>
    tpu.vector_store %arg6[%swap3A_60], %swap3A_63 {strides = array<i32>} : memref<10112xi32, #tpu.memory_space<vmem>>, vector<16xi32>,
    %broadcast_in_dim3A_64 = arith.constant 0 : i32
    %broadcast_in_dim3A_65 = vector.broadcast %broadcast_in_dim3A_64 : i32 to vector<16xi32>
    %swap3A_66 = arith.constant 10064 : index
    %swap3A_67 = tpu.vector_load %arg6[%swap3A_66] {strides = array<i32>} : memref<10112xi32, #tpu.memory_space<vmem>>, vector<16xi32>,
    %swap3A_68 = vector.shape_cast %swap3A_67 : vector<16xi32> to vector<16xi32>
    %swap3A_69 = vector.shape_cast %broadcast_in_dim3A_65 : vector<16xi32> to vector<16xi32>
    tpu.vector_store %arg6[%swap3A_66], %swap3A_69 {strides = array<i32>} : memref<10112xi32, #tpu.memory_space<vmem>>, vector<16xi32>,
    %broadcast_in_dim3A_70 = arith.constant 0 : i32
    %broadcast_in_dim3A_71 = vector.broadcast %broadcast_in_dim3A_70 : i32 to vector<16xi32>
    %swap3A_72 = arith.constant 10080 : index
    %swap3A_73 = tpu.vector_load %arg6[%swap3A_72] {strides = array<i32>} : memref<10112xi32, #tpu.memory_space<vmem>>, vector<16xi32>,
    %swap3A_74 = vector.shape_cast %swap3A_73 : vector<16xi32> to vector<16xi32>
    %swap3A_75 = vector.shape_cast %broadcast_in_dim3A_71 : vector<16xi32> to vector<16xi32>
    tpu.vector_store %arg6[%swap3A_72], %swap3A_75 {strides = array<i32>} : memref<10112xi32, #tpu.memory_space<vmem>>, vector<16xi32>,
    %broadcast_in_dim3A_76 = arith.constant 0 : i32
    %broadcast_in_dim3A_77 = vector.broadcast %broadcast_in_dim3A_76 : i32 to vector<16xi32>
    %swap3A_78 = arith.constant 10096 : index
    %swap3A_79 = tpu.vector_load %arg6[%swap3A_78] {strides = array<i32>} : memref<10112xi32, #tpu.memory_space<vmem>>, vector<16xi32>,
    %swap3A_80 = vector.shape_cast %swap3A_79 : vector<16xi32> to vector<16xi32>
    %swap3A_81 = vector.shape_cast %broadcast_in_dim3A_77 : vector<16xi32> to vector<16xi32>
    tpu.vector_store %arg6[%swap3A_78], %swap3A_81 {strides = array<i32>} : memref<10112xi32, #tpu.memory_space<vmem>>, vector<16xi32>,
    %broadcast_in_dim3A_82 = arith.constant 10000 : i32
    %broadcast_in_dim3A_83 = vector.broadcast %broadcast_in_dim3A_82 : i32 to vector<16xi32>
    %swap3A_84 = arith.constant 78 : i32
    %swap3A_85 = arith.index_cast %swap3A_84 : i32 to index
    %swap3A_86 = arith.constant 16 : index
    %swap3A_87 = tpu.vector_load %arg7[%swap3A_85, %swap3A_86] {strides = array<i32>} : memref<79x128xi32, #tpu.memory_space<vmem>>, vector<1x16xi32>,
    %swap3A_88 = vector.shape_cast %swap3A_87 : vector<1x16xi32> to vector<16xi32>
    %swap3A_89 = vector.shape_cast %broadcast_in_dim3A_83 : vector<16xi32> to vector<1x16xi32>
    tpu.vector_store %arg7[%swap3A_85, %swap3A_86], %swap3A_89 {strides = array<i32>} : memref<79x128xi32, #tpu.memory_space<vmem>>, vector<1x16xi32>,
    %broadcast_in_dim3A_90 = arith.constant 10000 : i32
    %broadcast_in_dim3A_91 = vector.broadcast %broadcast_in_dim3A_90 : i32 to vector<16xi32>
    %swap3A_92 = arith.constant 78 : i32
    %swap3A_93 = arith.index_cast %swap3A_92 : i32 to index
    %swap3A_94 = arith.constant 32 : index
    %swap3A_95 = tpu.vector_load %arg7[%swap3A_93, %swap3A_94] {strides = array<i32>} : memref<79x128xi32, #tpu.memory_space<vmem>>, vector<1x16xi32>,
    %swap3A_96 = vector.shape_cast %swap3A_95 : vector<1x16xi32> to vector<16xi32>
    %swap3A_97 = vector.shape_cast %broadcast_in_dim3A_91 : vector<16xi32> to vector<1x16xi32>
    tpu.vector_store %arg7[%swap3A_93, %swap3A_94], %swap3A_97 {strides = array<i32>} : memref<79x128xi32, #tpu.memory_space<vmem>>, vector<1x16xi32>,
    %broadcast_in_dim3A_98 = arith.constant 10000 : i32
    %broadcast_in_dim3A_99 = vector.broadcast %broadcast_in_dim3A_98 : i32 to vector<16xi32>
    %swap3A_100 = arith.constant 78 : i32
    %swap3A_101 = arith.index_cast %swap3A_100 : i32 to index
    %swap3A_102 = arith.constant 48 : index
    %swap3A_103 = tpu.vector_load %arg7[%swap3A_101, %swap3A_102] {strides = array<i32>} : memref<79x128xi32, #tpu.memory_space<vmem>>, vector<1x16xi32>,
    %swap3A_104 = vector.shape_cast %swap3A_103 : vector<1x16xi32> to vector<16xi32>
    %swap3A_105 = vector.shape_cast %broadcast_in_dim3A_99 : vector<16xi32> to vector<1x16xi32>
    tpu.vector_store %arg7[%swap3A_101, %swap3A_102], %swap3A_105 {strides = array<i32>} : memref<79x128xi32, #tpu.memory_space<vmem>>, vector<1x16xi32>,
    %broadcast_in_dim3A_106 = arith.constant 10000 : i32
    %broadcast_in_dim3A_107 = vector.broadcast %broadcast_in_dim3A_106 : i32 to vector<16xi32>
    %swap3A_108 = arith.constant 78 : i32
    %swap3A_109 = arith.index_cast %swap3A_108 : i32 to index
    %swap3A_110 = arith.constant 64 : index
    %swap3A_111 = tpu.vector_load %arg7[%swap3A_109, %swap3A_110] {strides = array<i32>} : memref<79x128xi32, #tpu.memory_space<vmem>>, vector<1x16xi32>,
    %swap3A_112 = vector.shape_cast %swap3A_111 : vector<1x16xi32> to vector<16xi32>
    %swap3A_113 = vector.shape_cast %broadcast_in_dim3A_107 : vector<16xi32> to vector<1x16xi32>
    tpu.vector_store %arg7[%swap3A_109, %swap3A_110], %swap3A_113 {strides = array<i32>} : memref<79x128xi32, #tpu.memory_space<vmem>>, vector<1x16xi32>,
    %broadcast_in_dim3A_114 = arith.constant 10000 : i32
    %broadcast_in_dim3A_115 = vector.broadcast %broadcast_in_dim3A_114 : i32 to vector<16xi32>
    %swap3A_116 = arith.constant 78 : i32
    %swap3A_117 = arith.index_cast %swap3A_116 : i32 to index
    %swap3A_118 = arith.constant 80 : index
    %swap3A_119 = tpu.vector_load %arg7[%swap3A_117, %swap3A_118] {strides = array<i32>} : memref<79x128xi32, #tpu.memory_space<vmem>>, vector<1x16xi32>,
    %swap3A_120 = vector.shape_cast %swap3A_119 : vector<1x16xi32> to vector<16xi32>
    %swap3A_121 = vector.shape_cast %broadcast_in_dim3A_115 : vector<16xi32> to vector<1x16xi32>
    tpu.vector_store %arg7[%swap3A_117, %swap3A_118], %swap3A_121 {strides = array<i32>} : memref<79x128xi32, #tpu.memory_space<vmem>>, vector<1x16xi32>,
    %broadcast_in_dim3A_122 = arith.constant 10000 : i32
    %broadcast_in_dim3A_123 = vector.broadcast %broadcast_in_dim3A_122 : i32 to vector<16xi32>
    %swap3A_124 = arith.constant 78 : i32
    %swap3A_125 = arith.index_cast %swap3A_124 : i32 to index
    %swap3A_126 = arith.constant 96 : index
    %swap3A_127 = tpu.vector_load %arg7[%swap3A_125, %swap3A_126] {strides = array<i32>} : memref<79x128xi32, #tpu.memory_space<vmem>>, vector<1x16xi32>,
    %swap3A_128 = vector.shape_cast %swap3A_127 : vector<1x16xi32> to vector<16xi32>
    %swap3A_129 = vector.shape_cast %broadcast_in_dim3A_123 : vector<16xi32> to vector<1x16xi32>
    tpu.vector_store %arg7[%swap3A_125, %swap3A_126], %swap3A_129 {strides = array<i32>} : memref<79x128xi32, #tpu.memory_space<vmem>>, vector<1x16xi32>,
    %broadcast_in_dim3A_130 = arith.constant 10000 : i32
    %broadcast_in_dim3A_131 = vector.broadcast %broadcast_in_dim3A_130 : i32 to vector<16xi32>
    %swap3A_132 = arith.constant 78 : i32
    %swap3A_133 = arith.index_cast %swap3A_132 : i32 to index
    %swap3A_134 = arith.constant 112 : index
    %swap3A_135 = tpu.vector_load %arg7[%swap3A_133, %swap3A_134] {strides = array<i32>} : memref<79x128xi32, #tpu.memory_space<vmem>>, vector<1x16xi32>,
    %swap3A_136 = vector.shape_cast %swap3A_135 : vector<1x16xi32> to vector<16xi32>
    %swap3A_137 = vector.shape_cast %broadcast_in_dim3A_131 : vector<16xi32> to vector<1x16xi32>
    tpu.vector_store %arg7[%swap3A_133, %swap3A_134], %swap3A_137 {strides = array<i32>} : memref<79x128xi32, #tpu.memory_space<vmem>>, vector<1x16xi32>,
    %scan3A_138 = arith.constant 0 : i32
    %scan3A_139 = arith.constant 0 : i32
    %scan3A_140 = arith.constant 78 : i32
    %scan3A_141 = arith.addi %scan3A_139, %scan3A_140 : i32
    %scan3A_142 = arith.constant 1 : i32
    scf.for %scan3A_185 = %scan3A_139 to %scan3A_141 step %scan3A_142  : i32 {
      %mul3A_186 = arith.constant 128 : i32
      %mul3A_187 = arith.muli %scan3A_185, %mul3A_186 : i32
      %add3A_188 = arith.addi %mul3A_2, %mul3A_187 : i32
      %dma_wait3A_189 = arith.constant 0 : i32
      %dma_wait3A_190 = tpu.memref_slice %arg7[%scan3A_185, %dma_wait3A_189] : memref<79x128xi32, #tpu.memory_space<vmem>> -> memref<1x128xi32, #tpu.memory_space<vmem>>
      %dma_wait3A_191 = tpu.memref_squeeze %dma_wait3A_190 : memref<1x128xi32, #tpu.memory_space<vmem>> -> memref<128xi32, #tpu.memory_space<vmem>>
      %dma_wait3A_192 = tpu.memref_slice %arg3[%add3A_188] : memref<320000xi32, #tpu.memory_space<hbm>> -> memref<128xi32, #tpu.memory_space<hbm>>
      %dma_wait3A_193 = arith.constant 0 : i32
      %dma_wait3A_194 = tpu.memref_slice %arg7[%scan3A_185, %dma_wait3A_193] : memref<79x128xi32, #tpu.memory_space<vmem>> -> memref<1x128xi32, #tpu.memory_space<vmem>>
      %dma_wait3A_195 = tpu.memref_squeeze %dma_wait3A_194 : memref<1x128xi32, #tpu.memory_space<vmem>> -> memref<128xi32, #tpu.memory_space<vmem>>
      %dma_wait3A_196 = tpu.memref_slice %arg3[%add3A_188] : memref<320000xi32, #tpu.memory_space<hbm>> -> memref<128xi32, #tpu.memory_space<hbm>>
      tpu.wait_dma2 semaphore(%arg12 : memref<!tpu.dma_semaphore, #tpu.memory_space<semaphore_mem>>) src(%dma_wait3A_196 : memref<128xi32, #tpu.memory_space<hbm>>) dst(%dma_wait3A_195 : memref<128xi32, #tpu.memory_space<vmem>>)
    }
    %scan3A_143 = arith.constant 78 : i32
    %dma_wait3A = arith.constant 78 : i32
    %dma_wait3A_144 = arith.constant 0 : i32
    %dma_wait3A_145 = tpu.memref_slice %arg7[%dma_wait3A, %dma_wait3A_144] : memref<79x128xi32, #tpu.memory_space<vmem>> -> memref<1x128xi32, #tpu.memory_space<vmem>>
    %dma_wait3A_146 = tpu.memref_squeeze %dma_wait3A_145 : memref<1x128xi32, #tpu.memory_space<vmem>> -> memref<128xi32, #tpu.memory_space<vmem>>
    %dma_wait3A_147 = arith.constant 0 : i32
    %dma_wait3A_148 = tpu.memref_slice %dma_wait3A_146[%dma_wait3A_147] : memref<128xi32, #tpu.memory_space<vmem>> -> memref<16xi32, #tpu.memory_space<vmem>>
    %dma_wait3A_149 = tpu.memref_slice %arg3[%add3A_22] : memref<320000xi32, #tpu.memory_space<hbm>> -> memref<16xi32, #tpu.memory_space<hbm>>
    %dma_wait3A_150 = arith.constant 0 : i32
    %dma_wait3A_151 = tpu.memref_slice %arg7[%dma_wait3A, %dma_wait3A_150] : memref<79x128xi32, #tpu.memory_space<vmem>> -> memref<1x128xi32, #tpu.memory_space<vmem>>
    %dma_wait3A_152 = tpu.memref_squeeze %dma_wait3A_151 : memref<1x128xi32, #tpu.memory_space<vmem>> -> memref<128xi32, #tpu.memory_space<vmem>>
    %dma_wait3A_153 = arith.constant 0 : i32
    %dma_wait3A_154 = tpu.memref_slice %dma_wait3A_152[%dma_wait3A_153] : memref<128xi32, #tpu.memory_space<vmem>> -> memref<16xi32, #tpu.memory_space<vmem>>
    %dma_wait3A_155 = tpu.memref_slice %arg3[%add3A_22] : memref<320000xi32, #tpu.memory_space<hbm>> -> memref<16xi32, #tpu.memory_space<hbm>>
    tpu.wait_dma2 semaphore(%arg12 : memref<!tpu.dma_semaphore, #tpu.memory_space<semaphore_mem>>) src(%dma_wait3A_155 : memref<16xi32, #tpu.memory_space<hbm>>) dst(%dma_wait3A_154 : memref<16xi32, #tpu.memory_space<vmem>>)
    %dma_wait3A_156 = arith.constant 0 : i32
    %dma_wait3A_157 = tpu.memref_slice %arg6[%dma_wait3A_156] : memref<10112xi32, #tpu.memory_space<vmem>> -> memref<10000xi32, #tpu.memory_space<vmem>>
    %dma_wait3A_158 = tpu.memref_slice %arg2[%mul3A_2] : memref<320000xi32, #tpu.memory_space<hbm>> -> memref<10000xi32, #tpu.memory_space<hbm>>
    %dma_wait3A_159 = arith.constant 0 : i32
    %dma_wait3A_160 = tpu.memref_slice %arg6[%dma_wait3A_159] : memref<10112xi32, #tpu.memory_space<vmem>> -> memref<10000xi32, #tpu.memory_space<vmem>>
    %dma_wait3A_161 = tpu.memref_slice %arg2[%mul3A_2] : memref<320000xi32, #tpu.memory_space<hbm>> -> memref<10000xi32, #tpu.memory_space<hbm>>
    tpu.wait_dma2 semaphore(%arg12 : memref<!tpu.dma_semaphore, #tpu.memory_space<semaphore_mem>>) src(%dma_wait3A_161 : memref<10000xi32, #tpu.memory_space<hbm>>) dst(%dma_wait3A_160 : memref<10000xi32, #tpu.memory_space<vmem>>)
    %barrier3A = arith.constant 0 : index
    tpu.barrier barrier_id(%barrier3A)
    %dma_start3A_162 = arith.constant 0 : i32
    %dma_start3A_163 = arith.constant 0 : i32
    %dma_start3A_164 = arith.constant 0 : i32
    %dma_start3A_165 = tpu.memref_slice %arg8[%dma_start3A_162, %dma_start3A_163, %dma_start3A_164] : memref<2x128x32xf32, #tpu.memory_space<vmem>> -> memref<1x128x32xf32, #tpu.memory_space<vmem>>
    %dma_start3A_166 = tpu.memref_squeeze %dma_start3A_165 : memref<1x128x32xf32, #tpu.memory_space<vmem>> -> memref<128x32xf32, #tpu.memory_space<vmem>>
    %dma_start3A_167 = arith.constant 0 : i32
    %dma_start3A_168 = tpu.memref_slice %arg6[%dma_start3A_167] : memref<10112xi32, #tpu.memory_space<vmem>> -> memref<128xi32, #tpu.memory_space<vmem>>
    %dma_start3A_169 = arith.constant 0 : i32
    %dma_start3A_170 = arith.constant 0 : i32
    %dma_start3A_171 = tpu.memref_slice %arg4[%dma_start3A_169, %dma_start3A_170] : memref<10000x32xf32, #tpu.memory_space<hbm>> -> memref<10000x32xf32, #tpu.memory_space<hbm>>
    tpu.enqueue_indirect_dma source(%dma_start3A_171 : memref<10000x32xf32, #tpu.memory_space<hbm>>) target(%dma_start3A_166 : memref<128x32xf32, #tpu.memory_space<vmem>>) offsets(%dma_start3A_168 : memref<128xi32, #tpu.memory_space<vmem>>) semaphore(%arg11 : memref<!tpu.dma_semaphore, #tpu.memory_space<semaphore_mem>>)
    %scan3A_172 = arith.constant 0 : i32
    %scan3A_173 = arith.constant 0 : i32
    %scan3A_174 = arith.constant 79 : i32
    %scan3A_175 = arith.addi %scan3A_173, %scan3A_174 : i32
    %scan3A_176 = arith.constant 1 : i32
    scf.for %scan3A_185 = %scan3A_173 to %scan3A_175 step %scan3A_176  : i32 {
      %rem3A = arith.constant 2 : i32
      %rem3A_186 = arith.remsi %scan3A_185, %rem3A : i32
      %mul3A_187 = arith.constant 128 : i32
      %mul3A_188 = arith.muli %scan3A_185, %mul3A_187 : i32
      %dma_wait3A_189 = arith.constant 0 : i32
      %dma_wait3A_190 = arith.constant 0 : i32
      %dma_wait3A_191 = tpu.memref_slice %arg8[%rem3A_186, %dma_wait3A_189, %dma_wait3A_190] : memref<2x128x32xf32, #tpu.memory_space<vmem>> -> memref<1x128x32xf32, #tpu.memory_space<vmem>>
      %dma_wait3A_192 = tpu.memref_squeeze %dma_wait3A_191 : memref<1x128x32xf32, #tpu.memory_space<vmem>> -> memref<128x32xf32, #tpu.memory_space<vmem>>
      %dma_wait3A_193 = tpu.memref_slice %arg6[%mul3A_188] : memref<10112xi32, #tpu.memory_space<vmem>> -> memref<128xi32, #tpu.memory_space<vmem>>
      %dma_wait3A_194 = arith.constant 0 : i32
      %dma_wait3A_195 = arith.constant 0 : i32
      %dma_wait3A_196 = tpu.memref_slice %arg4[%dma_wait3A_194, %dma_wait3A_195] : memref<10000x32xf32, #tpu.memory_space<hbm>> -> memref<10000x32xf32, #tpu.memory_space<hbm>>
      tpu.wait_indirect_dma semaphore(%arg11 : memref<!tpu.dma_semaphore, #tpu.memory_space<semaphore_mem>>) src(%dma_wait3A_196 : memref<10000x32xf32, #tpu.memory_space<hbm>>) dst(%dma_wait3A_192 : memref<128x32xf32, #tpu.memory_space<vmem>>)
      %add3A_197 = arith.constant 1 : i32
      %add3A_198 = arith.addi %scan3A_185, %add3A_197 : i32
      %lt3A = arith.constant 79 : i32
      %lt3A_199 = arith.cmpi slt, %add3A_198, %lt3A : i32
      %convert_element_type3A = arith.extui %lt3A_199 : i1 to i32
      %cond3A = arith.constant 0 : i32
      %cond3A_200 = arith.cmpi ne, %convert_element_type3A, %cond3A : i32
      scf.if %cond3A_200 {
        %add3A_201 = arith.constant 1 : i32
        %add3A_202 = arith.addi %scan3A_185, %add3A_201 : i32
        %sub3A = arith.constant 1 : i32
        %sub3A_203 = arith.subi %sub3A, %rem3A_186 : i32
        %mul3A_204 = arith.constant 128 : i32
        %mul3A_205 = arith.muli %add3A_202, %mul3A_204 : i32
        %dma_start3A_206 = arith.constant 0 : i32
        %dma_start3A_207 = arith.constant 0 : i32
        %dma_start3A_208 = tpu.memref_slice %arg8[%sub3A_203, %dma_start3A_206, %dma_start3A_207] : memref<2x128x32xf32, #tpu.memory_space<vmem>> -> memref<1x128x32xf32, #tpu.memory_space<vmem>>
        %dma_start3A_209 = tpu.memref_squeeze %dma_start3A_208 : memref<1x128x32xf32, #tpu.memory_space<vmem>> -> memref<128x32xf32, #tpu.memory_space<vmem>>
        %dma_start3A_210 = tpu.memref_slice %arg6[%mul3A_205] : memref<10112xi32, #tpu.memory_space<vmem>> -> memref<128xi32, #tpu.memory_space<vmem>>
        %dma_start3A_211 = arith.constant 0 : i32
        %dma_start3A_212 = arith.constant 0 : i32
        %dma_start3A_213 = tpu.memref_slice %arg4[%dma_start3A_211, %dma_start3A_212] : memref<10000x32xf32, #tpu.memory_space<hbm>> -> memref<10000x32xf32, #tpu.memory_space<hbm>>
        tpu.enqueue_indirect_dma source(%dma_start3A_213 : memref<10000x32xf32, #tpu.memory_space<hbm>>) target(%dma_start3A_209 : memref<128x32xf32, #tpu.memory_space<vmem>>) offsets(%dma_start3A_210 : memref<128xi32, #tpu.memory_space<vmem>>) semaphore(%arg11 : memref<!tpu.dma_semaphore, #tpu.memory_space<semaphore_mem>>)
      } else {
      }
      "tpu.region"() ({
        %run_scoped3A = tpu.sem_alloc : memref<!tpu.dma_semaphore, #tpu.memory_space<semaphore_mem>>
        %dma_start3A_201 = arith.constant 0 : i32
        %dma_start3A_202 = arith.constant 0 : i32
        %dma_start3A_203 = tpu.memref_slice %arg8[%rem3A_186, %dma_start3A_201, %dma_start3A_202] : memref<2x128x32xf32, #tpu.memory_space<vmem>> -> memref<1x128x32xf32, #tpu.memory_space<vmem>>
        %dma_start3A_204 = tpu.memref_squeeze %dma_start3A_203 : memref<1x128x32xf32, #tpu.memory_space<vmem>> -> memref<128x32xf32, #tpu.memory_space<vmem>>
        %dma_start3A_205 = arith.constant 0 : i32
        %dma_start3A_206 = tpu.memref_slice %arg7[%scan3A_185, %dma_start3A_205] : memref<79x128xi32, #tpu.memory_space<vmem>> -> memref<1x128xi32, #tpu.memory_space<vmem>>
        %dma_start3A_207 = tpu.memref_squeeze %dma_start3A_206 : memref<1x128xi32, #tpu.memory_space<vmem>> -> memref<128xi32, #tpu.memory_space<vmem>>
        %dma_start3A_208 = arith.constant 0 : i32
        %dma_start3A_209 = arith.constant 0 : i32
        %dma_start3A_210 = tpu.memref_slice %arg10[%dma_start3A_208, %dma_start3A_209] : memref<10240x32xf32, #tpu.memory_space<vmem_shared>> -> memref<10240x32xf32, #tpu.memory_space<vmem_shared>>
        tpu.enqueue_indirect_dma source(%dma_start3A_204 : memref<128x32xf32, #tpu.memory_space<vmem>>) target(%dma_start3A_210 : memref<10240x32xf32, #tpu.memory_space<vmem_shared>>) offsets(%dma_start3A_207 : memref<128xi32, #tpu.memory_space<vmem>>) semaphore(%run_scoped3A : memref<!tpu.dma_semaphore, #tpu.memory_space<semaphore_mem>>) {add = true}
        %dma_wait3A_211 = arith.constant 0 : i32
        %dma_wait3A_212 = arith.constant 0 : i32
        %dma_wait3A_213 = tpu.memref_slice %arg8[%rem3A_186, %dma_wait3A_211, %dma_wait3A_212] : memref<2x128x32xf32, #tpu.memory_space<vmem>> -> memref<1x128x32xf32, #tpu.memory_space<vmem>>
        %dma_wait3A_214 = tpu.memref_squeeze %dma_wait3A_213 : memref<1x128x32xf32, #tpu.memory_space<vmem>> -> memref<128x32xf32, #tpu.memory_space<vmem>>
        %dma_wait3A_215 = arith.constant 0 : i32
        %dma_wait3A_216 = tpu.memref_slice %arg7[%scan3A_185, %dma_wait3A_215] : memref<79x128xi32, #tpu.memory_space<vmem>> -> memref<1x128xi32, #tpu.memory_space<vmem>>
        %dma_wait3A_217 = tpu.memref_squeeze %dma_wait3A_216 : memref<1x128xi32, #tpu.memory_space<vmem>> -> memref<128xi32, #tpu.memory_space<vmem>>
        %dma_wait3A_218 = arith.constant 0 : i32
        %dma_wait3A_219 = arith.constant 0 : i32
        %dma_wait3A_220 = tpu.memref_slice %arg10[%dma_wait3A_218, %dma_wait3A_219] : memref<10240x32xf32, #tpu.memory_space<vmem_shared>> -> memref<10240x32xf32, #tpu.memory_space<vmem_shared>>
        tpu.wait_indirect_dma semaphore(%run_scoped3A : memref<!tpu.dma_semaphore, #tpu.memory_space<semaphore_mem>>) src(%dma_wait3A_214 : memref<128x32xf32, #tpu.memory_space<vmem>>) dst(%dma_wait3A_220 : memref<10240x32xf32, #tpu.memory_space<vmem_shared>>)
        tpu.yield
      }) : () -> ()
    }
    %scan3A_177 = arith.constant 79 : i32
    %barrier3A_178 = arith.constant 0 : index
    tpu.barrier barrier_id(%barrier3A_178)
    %scan3A_179 = arith.constant 0 : i32
    %scan3A_180 = arith.constant 0 : i32
    %scan3A_181 = arith.constant 4 : i32
    %scan3A_182 = arith.addi %scan3A_180, %scan3A_181 : i32
    %scan3A_183 = arith.constant 1 : i32
    scf.for %scan3A_185 = %scan3A_180 to %scan3A_182 step %scan3A_183  : i32 {
      %mul3A_186 = arith.constant 640 : i32
      %mul3A_187 = arith.muli %arg1, %mul3A_186 : i32
      %mul3A_188 = arith.constant 160 : i32
      %mul3A_189 = arith.muli %scan3A_185, %mul3A_188 : i32
      %add3A_190 = arith.addi %mul3A_187, %mul3A_189 : i32
      "tpu.region"() ({
        %run_scoped3A = tpu.sem_alloc : memref<!tpu.dma_semaphore, #tpu.memory_space<semaphore_mem>>
        %dma_start3A_191 = arith.constant 0 : i32
        %dma_start3A_192 = tpu.memref_slice %arg10[%add3A_190, %dma_start3A_191] : memref<10240x32xf32, #tpu.memory_space<vmem_shared>> -> memref<160x32xf32, #tpu.memory_space<vmem_shared>>
        %dma_start3A_193 = arith.constant 0 : i32
        %dma_start3A_194 = tpu.memref_slice %arg10[%add3A_190, %dma_start3A_193] : memref<10240x32xf32, #tpu.memory_space<vmem_shared>> -> memref<160x32xf32, #tpu.memory_space<vmem_shared>>
        tpu.enqueue_dma source(%dma_start3A_194 : memref<160x32xf32, #tpu.memory_space<vmem_shared>>) target(%arg9 : memref<160x32xf32, #tpu.memory_space<vmem>>) target_semaphore(%run_scoped3A : memref<!tpu.dma_semaphore, #tpu.memory_space<semaphore_mem>>)
        %dma_wait3A_195 = arith.constant 0 : i32
        %dma_wait3A_196 = tpu.memref_slice %arg10[%add3A_190, %dma_wait3A_195] : memref<10240x32xf32, #tpu.memory_space<vmem_shared>> -> memref<160x32xf32, #tpu.memory_space<vmem_shared>>
        %dma_wait3A_197 = arith.constant 0 : i32
        %dma_wait3A_198 = tpu.memref_slice %arg10[%add3A_190, %dma_wait3A_197] : memref<10240x32xf32, #tpu.memory_space<vmem_shared>> -> memref<160x32xf32, #tpu.memory_space<vmem_shared>>
        tpu.wait_dma2 semaphore(%run_scoped3A : memref<!tpu.dma_semaphore, #tpu.memory_space<semaphore_mem>>) src(%dma_wait3A_198 : memref<160x32xf32, #tpu.memory_space<vmem_shared>>) dst(%arg9 : memref<160x32xf32, #tpu.memory_space<vmem>>)
        tpu.yield
      }) : () -> ()
      "tpu.region"() ({
        %run_scoped3A = tpu.sem_alloc : memref<!tpu.dma_semaphore, #tpu.memory_space<semaphore_mem>>
        %dma_start3A_191 = arith.constant 0 : i32
        %dma_start3A_192 = arith.constant 0 : i32
        %dma_start3A_193 = tpu.memref_slice %arg5[%arg0, %dma_start3A_191, %dma_start3A_192] : memref<2x10240x32xf32, #tpu.memory_space<hbm>> -> memref<1x10240x32xf32, #tpu.memory_space<hbm>>
        %dma_start3A_194 = tpu.memref_squeeze %dma_start3A_193 : memref<1x10240x32xf32, #tpu.memory_space<hbm>> -> memref<10240x32xf32, #tpu.memory_space<hbm>>
        %dma_start3A_195 = arith.constant 0 : i32
        %dma_start3A_196 = tpu.memref_slice %dma_start3A_194[%add3A_190, %dma_start3A_195] : memref<10240x32xf32, #tpu.memory_space<hbm>> -> memref<160x32xf32, #tpu.memory_space<hbm>>
        %dma_start3A_197 = arith.constant 0 : i32
        %dma_start3A_198 = arith.constant 0 : i32
        %dma_start3A_199 = tpu.memref_slice %arg5[%arg0, %dma_start3A_197, %dma_start3A_198] : memref<2x10240x32xf32, #tpu.memory_space<hbm>> -> memref<1x10240x32xf32, #tpu.memory_space<hbm>>
        %dma_start3A_200 = tpu.memref_squeeze %dma_start3A_199 : memref<1x10240x32xf32, #tpu.memory_space<hbm>> -> memref<10240x32xf32, #tpu.memory_space<hbm>>
        %dma_start3A_201 = arith.constant 0 : i32
        %dma_start3A_202 = tpu.memref_slice %dma_start3A_200[%add3A_190, %dma_start3A_201] : memref<10240x32xf32, #tpu.memory_space<hbm>> -> memref<160x32xf32, #tpu.memory_space<hbm>>
        tpu.enqueue_dma source(%arg9 : memref<160x32xf32, #tpu.memory_space<vmem>>) target(%dma_start3A_202 : memref<160x32xf32, #tpu.memory_space<hbm>>) target_semaphore(%run_scoped3A : memref<!tpu.dma_semaphore, #tpu.memory_space<semaphore_mem>>)
        %dma_wait3A_203 = arith.constant 0 : i32
        %dma_wait3A_204 = arith.constant 0 : i32
        %dma_wait3A_205 = tpu.memref_slice %arg5[%arg0, %dma_wait3A_203, %dma_wait3A_204] : memref<2x10240x32xf32, #tpu.memory_space<hbm>> -> memref<1x10240x32xf32, #tpu.memory_space<hbm>>
        %dma_wait3A_206 = tpu.memref_squeeze %dma_wait3A_205 : memref<1x10240x32xf32, #tpu.memory_space<hbm>> -> memref<10240x32xf32, #tpu.memory_space<hbm>>
        %dma_wait3A_207 = arith.constant 0 : i32
        %dma_wait3A_208 = tpu.memref_slice %dma_wait3A_206[%add3A_190, %dma_wait3A_207] : memref<10240x32xf32, #tpu.memory_space<hbm>> -> memref<160x32xf32, #tpu.memory_space<hbm>>
        %dma_wait3A_209 = arith.constant 0 : i32
        %dma_wait3A_210 = arith.constant 0 : i32
        %dma_wait3A_211 = tpu.memref_slice %arg5[%arg0, %dma_wait3A_209, %dma_wait3A_210] : memref<2x10240x32xf32, #tpu.memory_space<hbm>> -> memref<1x10240x32xf32, #tpu.memory_space<hbm>>
        %dma_wait3A_212 = tpu.memref_squeeze %dma_wait3A_211 : memref<1x10240x32xf32, #tpu.memory_space<hbm>> -> memref<10240x32xf32, #tpu.memory_space<hbm>>
        %dma_wait3A_213 = arith.constant 0 : i32
        %dma_wait3A_214 = tpu.memref_slice %dma_wait3A_212[%add3A_190, %dma_wait3A_213] : memref<10240x32xf32, #tpu.memory_space<hbm>> -> memref<160x32xf32, #tpu.memory_space<hbm>>
        tpu.wait_dma2 semaphore(%run_scoped3A : memref<!tpu.dma_semaphore, #tpu.memory_space<semaphore_mem>>) src(%arg9 : memref<160x32xf32, #tpu.memory_space<vmem>>) dst(%dma_wait3A_214 : memref<160x32xf32, #tpu.memory_space<hbm>>)
        tpu.yield
      }) : () -> ()
    }
    %scan3A_184 = arith.constant 4 : i32
    return
  }
}

module attributes {stable_mosaic.version = 14 : i64} {
  func.func @body(%arg0: i32, %arg1: memref<128x128xf32, #tpu.memory_space<vmem>>, %arg2: memref<128x48xf32, #tpu.memory_space<vmem>>, %arg3: memref<128x16xf32, #tpu.memory_space<vmem>>, %arg4: memref<128x16xf32, #tpu.memory_space<vmem>>, %arg5: memref<128x1xf32, #tpu.memory_space<vmem>>, %arg6: memref<128x16xf32, #tpu.memory_space<vmem>>, %arg7: memref<128x32xf32, #tpu.memory_space<vmem>>) attributes {dimension_semantics = [#tpu.dimension_semantics<arbitrary>], iteration_bounds = array<i64: 79>, scalar_prefetch = 0 : i64, scratch_operands = 0 : i64, tpu.core_type = #tpu.core_type<tc>, window_params = [{transform_indices = @transform_0, window_bounds = array<i64: 128, 128>}, {pipeline_mode = #tpu.pipeline_mode<synchronous>, transform_indices = @transform_1, window_bounds = array<i64: 128, 48>}, {transform_indices = @transform_2, window_bounds = array<i64: 128, 16>}, {transform_indices = @transform_3, window_bounds = array<i64: 128, 16>}, {transform_indices = @transform_4, window_bounds = array<i64: 128, 1>}, {transform_indices = @transform_5, window_bounds = array<i64: 128, 16>}, {transform_indices = @transform_6, window_bounds = array<i64: 128, 32>}]} {
    %get3A = arith.constant 0 : index
    %get3A_0 = arith.constant 0 : index
    %get3A_1 = vector.load %arg3[%get3A, %get3A_0] : memref<128x16xf32, #tpu.memory_space<vmem>>, vector<128x1xf32>
    %get3A_2 = arith.constant 0 : index
    %get3A_3 = arith.constant 0 : index
    %get3A_4 = vector.load %arg4[%get3A_2, %get3A_3] : memref<128x16xf32, #tpu.memory_space<vmem>>, vector<128x1xf32>
    %add3A = arith.addf %get3A_1, %get3A_4 : vector<128x1xf32>
    %add3A_5 = arith.constant 1.000000e+00 : f32
    %add3A_6 = vector.broadcast %add3A_5 : f32 to vector<128x1xf32>
    %add3A_7 = arith.addf %add3A, %add3A_6 : vector<128x1xf32>
    %rsqrt3A = math.rsqrt %add3A_7 : vector<128x1xf32>
    %swap3A = arith.constant 0 : index
    %swap3A_8 = arith.constant 0 : index
    %swap3A_9 = vector.load %arg5[%swap3A, %swap3A_8] : memref<128x1xf32, #tpu.memory_space<vmem>>, vector<128x1xf32>
    tpu.vector_store %arg5[%swap3A, %swap3A_8], %rsqrt3A {strides = array<i32>} : memref<128x1xf32, #tpu.memory_space<vmem>>, vector<128x1xf32>,
    %get3A_10 = arith.constant 0 : index
    %get3A_11 = arith.constant 0 : index
    %get3A_12 = vector.load %arg1[%get3A_10, %get3A_11] : memref<128x128xf32, #tpu.memory_space<vmem>>, vector<128x128xf32>
    %get3A_13 = arith.constant 0 : index
    %get3A_14 = arith.constant 0 : index
    %get3A_15 = vector.load %arg2[%get3A_13, %get3A_14] : memref<128x48xf32, #tpu.memory_space<vmem>>, vector<128x48xf32>
    %dot_general3A = arith.constant dense<0.000000e+00> : vector<128x48xf32>
    %dot_general3A_16 = tpu.matmul %get3A_12, %get3A_15, %dot_general3A {dimension_numbers = #tpu.dot_dimension_numbers<[1], [0], [0], [1], [0, 0, 1, 1], [], []>, precision = #tpu.contract_precision<fp32>, transpose_lhs_hint = false} : vector<128x128xf32>, vector<128x48xf32>, vector<128x48xf32> -> vector<128x48xf32>
    %slice3A = vector.extract_strided_slice %dot_general3A_16 {offsets = [0, 0], sizes = [128, 16], strides = [1, 1]} : vector<128x48xf32> to vector<128x16xf32>
    %swap3A_17 = arith.constant 0 : index
    %swap3A_18 = arith.constant 0 : index
    %swap3A_19 = vector.load %arg6[%swap3A_17, %swap3A_18] : memref<128x16xf32, #tpu.memory_space<vmem>>, vector<128x16xf32>
    tpu.vector_store %arg6[%swap3A_17, %swap3A_18], %slice3A {strides = array<i32>} : memref<128x16xf32, #tpu.memory_space<vmem>>, vector<128x16xf32>,
    %slice3A_20 = vector.extract_strided_slice %dot_general3A_16 {offsets = [0, 16], sizes = [128, 32], strides = [1, 1]} : vector<128x48xf32> to vector<128x32xf32>
    %mul3A = vector.broadcast %rsqrt3A : vector<128x1xf32> to vector<128x32xf32>
    %mul3A_21 = arith.mulf %slice3A_20, %mul3A : vector<128x32xf32>
    %swap3A_22 = arith.constant 0 : index
    %swap3A_23 = arith.constant 0 : index
    %swap3A_24 = vector.load %arg7[%swap3A_22, %swap3A_23] : memref<128x32xf32, #tpu.memory_space<vmem>>, vector<128x32xf32>
    tpu.vector_store %arg7[%swap3A_22, %swap3A_23], %mul3A_21 {strides = array<i32>} : memref<128x32xf32, #tpu.memory_space<vmem>>, vector<128x32xf32>,
    return
  }
  func.func @transform_0(%arg0: i32) -> (i32, i32) {
    %c0_i32 = arith.constant 0 : i32
    %c0_i32_0 = arith.constant 0 : i32
    return %arg0, %c0_i32 : i32, i32
  }
  func.func @transform_1(%arg0: i32) -> (i32, i32) {
    %c0_i32 = arith.constant 0 : i32
    %c0_i32_0 = arith.constant 0 : i32
    %c0_i32_1 = arith.constant 0 : i32
    return %c0_i32, %c0_i32_0 : i32, i32
  }
  func.func @transform_2(%arg0: i32) -> (i32, i32) {
    %c0_i32 = arith.constant 0 : i32
    %c0_i32_0 = arith.constant 0 : i32
    return %arg0, %c0_i32 : i32, i32
  }
  func.func @transform_3(%arg0: i32) -> (i32, i32) {
    %c0_i32 = arith.constant 0 : i32
    %c0_i32_0 = arith.constant 0 : i32
    return %arg0, %c0_i32 : i32, i32
  }
  func.func @transform_4(%arg0: i32) -> (i32, i32) {
    %c0_i32 = arith.constant 0 : i32
    %c0_i32_0 = arith.constant 0 : i32
    return %arg0, %c0_i32 : i32, i32
  }
  func.func @transform_5(%arg0: i32) -> (i32, i32) {
    %c0_i32 = arith.constant 0 : i32
    %c0_i32_0 = arith.constant 0 : i32
    return %arg0, %c0_i32 : i32, i32
  }
  func.func @transform_6(%arg0: i32) -> (i32, i32) {
    %c0_i32 = arith.constant 0 : i32
    %c0_i32_0 = arith.constant 0 : i32
    return %arg0, %c0_i32 : i32, i32
  }
}

module attributes {stable_mosaic.version = 14 : i64} {
  func.func @body(%arg0: i32, %arg1: memref<128x32xf32, #tpu.memory_space<vmem>>, %arg2: memref<128x32xf32, #tpu.memory_space<vmem>>, %arg3: memref<128x32xf32, #tpu.memory_space<vmem>>, %arg4: memref<128x1xf32, #tpu.memory_space<vmem>>, %arg5: memref<128x16xf32, #tpu.memory_space<vmem>>, %arg6: memref<128x16xf32, #tpu.memory_space<vmem>>) attributes {dimension_semantics = [#tpu.dimension_semantics<arbitrary>], iteration_bounds = array<i64: 79>, scalar_prefetch = 0 : i64, scratch_operands = 0 : i64, tpu.core_type = #tpu.core_type<tc>, window_params = [{transform_indices = @transform_0, window_bounds = array<i64: 128, 32>}, {transform_indices = @transform_1, window_bounds = array<i64: 128, 32>}, {transform_indices = @transform_2, window_bounds = array<i64: 128, 32>}, {transform_indices = @transform_3, window_bounds = array<i64: 128, 1>}, {transform_indices = @transform_4, window_bounds = array<i64: 128, 16>}, {transform_indices = @transform_5, window_bounds = array<i64: 128, 16>}]} {
    %get3A = arith.constant 0 : index
    %get3A_0 = arith.constant 0 : index
    %get3A_1 = vector.load %arg4[%get3A, %get3A_0] : memref<128x1xf32, #tpu.memory_space<vmem>>, vector<128x1xf32>
    %get3A_2 = arith.constant 0 : index
    %get3A_3 = arith.constant 0 : index
    %get3A_4 = vector.load %arg1[%get3A_2, %get3A_3] : memref<128x32xf32, #tpu.memory_space<vmem>>, vector<128x32xf32>
    %get3A_5 = arith.constant 0 : index
    %get3A_6 = arith.constant 0 : index
    %get3A_7 = vector.load %arg2[%get3A_5, %get3A_6] : memref<128x32xf32, #tpu.memory_space<vmem>>, vector<128x32xf32>
    %add3A = arith.addf %get3A_4, %get3A_7 : vector<128x32xf32>
    %get3A_8 = arith.constant 0 : index
    %get3A_9 = arith.constant 0 : index
    %get3A_10 = vector.load %arg3[%get3A_8, %get3A_9] : memref<128x32xf32, #tpu.memory_space<vmem>>, vector<128x32xf32>
    %add3A_11 = arith.addf %add3A, %get3A_10 : vector<128x32xf32>
    %mul3A = vector.broadcast %get3A_1 : vector<128x1xf32> to vector<128x32xf32>
    %mul3A_12 = arith.mulf %add3A_11, %mul3A : vector<128x32xf32>
    %slice3A = vector.extract_strided_slice %mul3A_12 {offsets = [0, 0], sizes = [128, 16], strides = [1, 1]} : vector<128x32xf32> to vector<128x16xf32>
    %swap3A = arith.constant 0 : index
    %swap3A_13 = arith.constant 0 : index
    %swap3A_14 = vector.load %arg5[%swap3A, %swap3A_13] : memref<128x16xf32, #tpu.memory_space<vmem>>, vector<128x16xf32>
    tpu.vector_store %arg5[%swap3A, %swap3A_13], %slice3A {strides = array<i32>} : memref<128x16xf32, #tpu.memory_space<vmem>>, vector<128x16xf32>,
    %slice3A_15 = vector.extract_strided_slice %mul3A_12 {offsets = [0, 16], sizes = [128, 16], strides = [1, 1]} : vector<128x32xf32> to vector<128x16xf32>
    %mul3A_16 = vector.broadcast %get3A_1 : vector<128x1xf32> to vector<128x16xf32>
    %mul3A_17 = arith.mulf %slice3A_15, %mul3A_16 : vector<128x16xf32>
    %swap3A_18 = arith.constant 0 : index
    %swap3A_19 = arith.constant 0 : index
    %swap3A_20 = vector.load %arg6[%swap3A_18, %swap3A_19] : memref<128x16xf32, #tpu.memory_space<vmem>>, vector<128x16xf32>
    tpu.vector_store %arg6[%swap3A_18, %swap3A_19], %mul3A_17 {strides = array<i32>} : memref<128x16xf32, #tpu.memory_space<vmem>>, vector<128x16xf32>,
    return
  }
  func.func @transform_0(%arg0: i32) -> (i32, i32) {
    %c0_i32 = arith.constant 0 : i32
    %c0_i32_0 = arith.constant 0 : i32
    return %arg0, %c0_i32 : i32, i32
  }
  func.func @transform_1(%arg0: i32) -> (i32, i32) {
    %c0_i32 = arith.constant 0 : i32
    %c0_i32_0 = arith.constant 0 : i32
    return %arg0, %c0_i32 : i32, i32
  }
  func.func @transform_2(%arg0: i32) -> (i32, i32) {
    %c0_i32 = arith.constant 0 : i32
    %c0_i32_0 = arith.constant 0 : i32
    return %arg0, %c0_i32 : i32, i32
  }
  func.func @transform_3(%arg0: i32) -> (i32, i32) {
    %c0_i32 = arith.constant 0 : i32
    %c0_i32_0 = arith.constant 0 : i32
    return %arg0, %c0_i32 : i32, i32
  }
  func.func @transform_4(%arg0: i32) -> (i32, i32) {
    %c0_i32 = arith.constant 0 : i32
    %c0_i32_0 = arith.constant 0 : i32
    return %arg0, %c0_i32 : i32, i32
  }
  func.func @transform_5(%arg0: i32) -> (i32, i32) {
    %c0_i32 = arith.constant 0 : i32
    %c0_i32_0 = arith.constant 0 : i32
    return %arg0, %c0_i32 : i32, i32
  }
}

module attributes {stable_mosaic.version = 14 : i64} {
  func.func @body(%arg0: i32, %arg1: memref<128x16xf32, #tpu.memory_space<vmem>>, %arg2: memref<128x16xf32, #tpu.memory_space<vmem>>, %arg3: memref<128x16xf32, #tpu.memory_space<vmem>>, %arg4: memref<128x1xf32, #tpu.memory_space<vmem>>, %arg5: memref<128x16xf32, #tpu.memory_space<vmem>>, %arg6: memref<128x16xf32, #tpu.memory_space<vmem>>, %arg7: memref<1x48xf32, #tpu.memory_space<vmem>>, %arg8: memref<48x128xf32, #tpu.memory_space<vmem>>, %arg9: memref<1x128xf32, #tpu.memory_space<vmem>>, %arg10: memref<128x128xf32, #tpu.memory_space<vmem>>) attributes {dimension_semantics = [#tpu.dimension_semantics<arbitrary>], iteration_bounds = array<i64: 79>, scalar_prefetch = 0 : i64, scratch_operands = 0 : i64, tpu.core_type = #tpu.core_type<tc>, window_params = [{transform_indices = @transform_0, window_bounds = array<i64: 128, 16>}, {transform_indices = @transform_1, window_bounds = array<i64: 128, 16>}, {transform_indices = @transform_2, window_bounds = array<i64: 128, 16>}, {transform_indices = @transform_3, window_bounds = array<i64: 128, 1>}, {transform_indices = @transform_4, window_bounds = array<i64: 128, 16>}, {transform_indices = @transform_5, window_bounds = array<i64: 128, 16>}, {pipeline_mode = #tpu.pipeline_mode<synchronous>, transform_indices = @transform_6, window_bounds = array<i64: 1, 48>}, {pipeline_mode = #tpu.pipeline_mode<synchronous>, transform_indices = @transform_7, window_bounds = array<i64: 48, 128>}, {pipeline_mode = #tpu.pipeline_mode<synchronous>, transform_indices = @transform_8, window_bounds = array<i64: 1, 128>}, {transform_indices = @transform_9, window_bounds = array<i64: 128, 128>}]} {
    %get3A = arith.constant 0 : index
    %get3A_0 = arith.constant 0 : index
    %get3A_1 = vector.load %arg1[%get3A, %get3A_0] : memref<128x16xf32, #tpu.memory_space<vmem>>, vector<128x16xf32>
    %get3A_2 = arith.constant 0 : index
    %get3A_3 = arith.constant 0 : index
    %get3A_4 = vector.load %arg2[%get3A_2, %get3A_3] : memref<128x16xf32, #tpu.memory_space<vmem>>, vector<128x16xf32>
    %add3A = arith.addf %get3A_1, %get3A_4 : vector<128x16xf32>
    %get3A_5 = arith.constant 0 : index
    %get3A_6 = arith.constant 0 : index
    %get3A_7 = vector.load %arg3[%get3A_5, %get3A_6] : memref<128x16xf32, #tpu.memory_space<vmem>>, vector<128x16xf32>
    %add3A_8 = arith.addf %add3A, %get3A_7 : vector<128x16xf32>
    %get3A_9 = arith.constant 0 : index
    %get3A_10 = arith.constant 0 : index
    %get3A_11 = vector.load %arg4[%get3A_9, %get3A_10] : memref<128x1xf32, #tpu.memory_space<vmem>>, vector<128x1xf32>
    %mul3A = vector.broadcast %get3A_11 : vector<128x1xf32> to vector<128x16xf32>
    %mul3A_12 = arith.mulf %add3A_8, %mul3A : vector<128x16xf32>
    %get3A_13 = arith.constant 0 : index
    %get3A_14 = arith.constant 0 : index
    %get3A_15 = vector.load %arg5[%get3A_13, %get3A_14] : memref<128x16xf32, #tpu.memory_space<vmem>>, vector<128x16xf32>
    %get3A_16 = arith.constant 0 : index
    %get3A_17 = arith.constant 0 : index
    %get3A_18 = vector.load %arg6[%get3A_16, %get3A_17] : memref<128x16xf32, #tpu.memory_space<vmem>>, vector<128x16xf32>
    %concatenate3A = tpu.concatenate %get3A_15, %get3A_18, %mul3A_12 in 1 : vector<128x16xf32>, vector<128x16xf32>, vector<128x16xf32> -> vector<128x48xf32>
    %get3A_19 = arith.constant 0 : index
    %get3A_20 = arith.constant 0 : index
    %get3A_21 = vector.load %arg7[%get3A_19, %get3A_20] : memref<1x48xf32, #tpu.memory_space<vmem>>, vector<1x48xf32>
    %add3A_22 = vector.broadcast %get3A_21 : vector<1x48xf32> to vector<128x48xf32>
    %add3A_23 = arith.addf %concatenate3A, %add3A_22 : vector<128x48xf32>
    %max3A = arith.constant 0.000000e+00 : f32
    %max3A_24 = vector.broadcast %max3A : f32 to vector<128x48xf32>
    %max3A_25 = arith.maximumf %add3A_23, %max3A_24 : vector<128x48xf32>
    %get3A_26 = arith.constant 0 : index
    %get3A_27 = arith.constant 0 : index
    %get3A_28 = vector.load %arg8[%get3A_26, %get3A_27] : memref<48x128xf32, #tpu.memory_space<vmem>>, vector<48x128xf32>
    %dot_general3A = arith.constant dense<0.000000e+00> : vector<128x128xf32>
    %dot_general3A_29 = tpu.matmul %max3A_25, %get3A_28, %dot_general3A {dimension_numbers = #tpu.dot_dimension_numbers<[1], [0], [0], [1], [0, 0, 1, 1], [], []>, precision = #tpu.contract_precision<fp32>, transpose_lhs_hint = false} : vector<128x48xf32>, vector<48x128xf32>, vector<128x128xf32> -> vector<128x128xf32>
    %get3A_30 = arith.constant 0 : index
    %get3A_31 = arith.constant 0 : index
    %get3A_32 = vector.load %arg9[%get3A_30, %get3A_31] : memref<1x128xf32, #tpu.memory_space<vmem>>, vector<1x128xf32>
    %add3A_33 = vector.broadcast %get3A_32 : vector<1x128xf32> to vector<128x128xf32>
    %add3A_34 = arith.addf %dot_general3A_29, %add3A_33 : vector<128x128xf32>
    %swap3A = arith.constant 0 : index
    %swap3A_35 = arith.constant 0 : index
    %swap3A_36 = vector.load %arg10[%swap3A, %swap3A_35] : memref<128x128xf32, #tpu.memory_space<vmem>>, vector<128x128xf32>
    tpu.vector_store %arg10[%swap3A, %swap3A_35], %add3A_34 {strides = array<i32>} : memref<128x128xf32, #tpu.memory_space<vmem>>, vector<128x128xf32>,
    return
  }
  func.func @transform_0(%arg0: i32) -> (i32, i32) {
    %c0_i32 = arith.constant 0 : i32
    %c0_i32_0 = arith.constant 0 : i32
    return %arg0, %c0_i32 : i32, i32
  }
  func.func @transform_1(%arg0: i32) -> (i32, i32) {
    %c0_i32 = arith.constant 0 : i32
    %c0_i32_0 = arith.constant 0 : i32
    return %arg0, %c0_i32 : i32, i32
  }
  func.func @transform_2(%arg0: i32) -> (i32, i32) {
    %c0_i32 = arith.constant 0 : i32
    %c0_i32_0 = arith.constant 0 : i32
    return %arg0, %c0_i32 : i32, i32
  }
  func.func @transform_3(%arg0: i32) -> (i32, i32) {
    %c0_i32 = arith.constant 0 : i32
    %c0_i32_0 = arith.constant 0 : i32
    return %arg0, %c0_i32 : i32, i32
  }
  func.func @transform_4(%arg0: i32) -> (i32, i32) {
    %c0_i32 = arith.constant 0 : i32
    %c0_i32_0 = arith.constant 0 : i32
    return %arg0, %c0_i32 : i32, i32
  }
  func.func @transform_5(%arg0: i32) -> (i32, i32) {
    %c0_i32 = arith.constant 0 : i32
    %c0_i32_0 = arith.constant 0 : i32
    return %arg0, %c0_i32 : i32, i32
  }
  func.func @transform_6(%arg0: i32) -> (i32, i32) {
    %c0_i32 = arith.constant 0 : i32
    %c0_i32_0 = arith.constant 0 : i32
    %c0_i32_1 = arith.constant 0 : i32
    return %c0_i32, %c0_i32_0 : i32, i32
  }
  func.func @transform_7(%arg0: i32) -> (i32, i32) {
    %c0_i32 = arith.constant 0 : i32
    %c0_i32_0 = arith.constant 0 : i32
    %c0_i32_1 = arith.constant 0 : i32
    return %c0_i32, %c0_i32_0 : i32, i32
  }
  func.func @transform_8(%arg0: i32) -> (i32, i32) {
    %c0_i32 = arith.constant 0 : i32
    %c0_i32_0 = arith.constant 0 : i32
    %c0_i32_1 = arith.constant 0 : i32
    return %c0_i32, %c0_i32_0 : i32, i32
  }
  func.func @transform_9(%arg0: i32) -> (i32, i32) {
    %c0_i32 = arith.constant 0 : i32
    %c0_i32_0 = arith.constant 0 : i32
    return %arg0, %c0_i32 : i32, i32
  }
}

</mosaic_0001>

<sc_bundles>
// kernel: kernel.11.cloned.1.call-start
scs
__scs_entry_jumppad:
0x0: {  	(pc) =	sbr.rel $0x88, $3  }
0x1: {  	(tag) =	ssettag $0x0;
	lr =	simm.s32 $0x1  }
0x2: {  	[smem:$0x3F99] =	sst lr;
	_ =	strace $0xD0000000  }
0x3: {  	_ = 	snop  }
0x4: {  	_ = 	snop  }
0x5: {  	_ = 	snop  }
0x6: {  	_ = 	snop  }
0x7: {  	_ = 	snop  }
__scs_overlays_trampoline_lowered:
0x8: {  	[smem:$0x3FA8] =	sst s0  }
0x9: {  	[smem:$0x3FA9] =	sst s1  }
0xa: {  	[smem:$0x3FAA] =	sst s2  }
0xb: {  	[smem:$0x3FAB] =	sst s3  }
0xc: {  	[smem:$0x3FAC] =	sst s4  }
0xd: {  	[smem:$0x3FAD] =	sst s5  }
0xe: {  	[smem:$0x3FAE] =	sst s6  }
0xf: {  	[smem:$0x3FAF] =	sst s7  }
0x10: {  	[smem:$0x3FB0] =	sst s8  }
0x11: {  	[smem:$0x3FB1] =	sst s9;
	s0 =	simm.s32 @!p0 $0x0  }
0x12: {  	s1 =	sld [smem:$0x3F97];
	s0 =	simm.s32 @p0 $0x1  }
0x13: {  	[smem:$0x3FB2] =	sst s0;
	s0 =	simm.s32 @!p1 $0x0  }
0x14: {  	s2 =	sld [smem:$0x3F96];
	s0 =	simm.s32 @p1 $0x1  }
0x15: {  	[smem:$0x3FB3] =	sst s0;
	s0 =	simm.s32 @!p2 $0x0  }
0x16: {  	s3 =	sld [smem:$0x3FDB];
	s0 =	simm.s32 @p2 $0x1  }
0x17: {  	s4 =	simm.s32 $0x1BF5;
	[smem:$0x3FB5] =	sst s0  }
0x18: {  	s0 =	sld [smem:$0x3F98];
	_ =	swait.ge [sflag:s4], $0x0  }
0x19: {  	s7 =	sld [smem:$0x3F99]  }
0x1a: {  	s8 =	sadd.s32 $0xFFFFE003, lr  }
0x1b: {  	s9 =	sadd.s32 $0xFFFFFEF7, lr;
	s5 =	simm.s32 $0xFFFFFFFF;
	p2 =	slt.u32 s8, $0xFFFFF086  }
0x1c: {  	p1 =	slt.u32 s9, $0xF7A;
	s5 =	simm.s32 @!p2 $0x0  }
0x1d: {  	s5 =	simm.s32 @p1 $0x1;
	p0 =	seq.s32 s7, s2  }
0x1e: {  	s7 =	smul.u32 @!p0 $0xF7A, s2;
	p2 =	seq.s32 @!p0 s5, $0x0  }
0x1f: {  	s9 =	smul.u32 $0xF7A, s1;
	s8 =	simm.s32 @!p0 $0x1BF5;
	p2 =	por !p2, p0  }
0x20: {  	[sflag:s8] =	ssyncset.s32 @!p0 $0xFFFFF086;
	s6 =	sadd.s32 @!p0 s3, s7;
	s7 =	simm.s32 @!p0 $0x108  }
0x21: {  	s3 =	sadd.s32 s3, s9;
	s6 =	sadd.s32 @!p0 $0x88, s6;
	s7 =	simm.s32 @p2 $0x1082  }
0x22: {  	[simem:s7], [sflag:s8] =	dma.local @!p0 [hbm:s6], $0xF7A  }
0x23: {  	s9 =	sor.u32 $0xD0000000, s2;
	s6 =	simm.s32 $0x108;
	_ =	swait.ge @!p0 [sflag:s8], $0x0  }
0x24: {  	s3 =	sadd.s32 $0x88, s3;
	s6 =	simm.s32 @!p1 $0x1082;
	[sflag:s4] =	ssyncset.s32 $0xFFFFF086  }
0x25: {  	[simem:s6], [sflag:s4] =	dma.local [hbm:s3], $0xF7A  }
0x26: {  	[smem:$0x3F99] =	sst s1;
	(tag) =	ssettag s2;
	_ =	strace s9  }
0x27: {  	s1 =	sld [smem:$0x3FA9]  }
0x28: {  	s2 =	sld [smem:$0x3FAA]  }
0x29: {  	s4 =	sld [smem:$0x3FAC]  }
0x2a: {  	p0 =	seq.s32 s5, $0x0;
	s5 =	sld [smem:$0x3FAD]  }
0x2b: {  	s6 =	sld [smem:$0x3FAE]  }
0x2c: {  	s7 =	sld [smem:$0x3FAF]  }
0x2d: {  	s3 =	simm.s32 $0x108;
	s8 =	sld [smem:$0x3FB0]  }
0x2e: {  	s3 =	simm.s32 @!p0 $0x1082;
	s9 =	sld [smem:$0x3FB1]  }
0x2f: {  	lr =	sadd.s32 s0, s3;
	s0 =	sld [smem:$0x3FA8]  }
0x30: {  	s3 =	sld [smem:$0x3FAB]  }
0x31: {  	[smem:$0x3FB4] =	sst s10  }
0x32: {  	s10 =	sld [smem:$0x3FB2];
	_ =	sdelay $0x3  }
0x33: {  	p0 =	seq.s32 s10, $0x1;
	s10 =	sld [smem:$0x3FB4];
	_ =	sdelay $0x3  }
0x34: {  	[smem:$0x3FB4] =	sst s10  }
0x35: {  	s10 =	sld [smem:$0x3FB3];
	_ =	sdelay $0x3  }
0x36: {  	p1 =	seq.s32 s10, $0x1;
	s10 =	sld [smem:$0x3FB4];
	_ =	sdelay $0x3  }
0x37: {  	[smem:$0x3FB4] =	sst s10  }
0x38: {  	s10 =	sld [smem:$0x3FB5]  }
0x39: {  	_ = 	snop;
	(pc) =	sbr.ind lr, $3  }
0x3a: {  	_ = 	snop  }
0x3b: {  	_ = 	snop  }
0x3c: {  	p2 =	seq.s32 s10, $0x1;
	s10 =	sld [smem:$0x3FB4]  }
0x3d: {  	_ =	shalt  }
0x3e: {  	_ =	shalt  }
0x3f: {  	_ =	shalt  }
0x40: {  	_ =	shalt  }
0x41: {  	_ =	shalt  }
0x42: {  	_ =	shalt  }
0x43: {  	_ =	shalt  }
0x44: {  	_ =	shalt  }
0x45: {  	_ =	shalt  }
0x46: {  	_ =	shalt  }
0x47: {  	_ =	shalt  }
0x48: {  	_ =	shalt  }
0x49: {  	_ =	shalt  }
0x4a: {  	_ =	shalt  }
0x4b: {  	_ =	shalt  }
0x4c: {  	_ =	shalt  }
0x4d: {  	_ =	shalt  }
0x4e: {  	_ =	shalt  }
0x4f: {  	_ =	shalt  }
0x50: {  	_ =	shalt  }
0x51: {  	_ =	shalt  }
0x52: {  	_ =	shalt  }
0x53: {  	_ =	shalt  }
0x54: {  	_ =	shalt  }
0x55: {  	_ =	shalt  }
0x56: {  	_ =	shalt  }
0x57: {  	_ =	shalt  }
0x58: {  	_ =	shalt  }
0x59: {  	_ =	shalt  }
0x5a: {  	_ =	shalt  }
0x5b: {  	_ =	shalt  }
0x5c: {  	_ =	shalt  }
0x5d: {  	_ =	shalt  }
0x5e: {  	_ =	shalt  }
0x5f: {  	_ =	shalt  }
0x60: {  	_ =	shalt  }
0x61: {  	_ =	shalt  }
0x62: {  	_ =	shalt  }
0x63: {  	_ =	shalt  }
0x64: {  	_ =	shalt  }
0x65: {  	_ =	shalt  }
0x66: {  	_ =	shalt  }
0x67: {  	_ =	shalt  }
0x68: {  	_ =	shalt  }
0x69: {  	_ =	shalt  }
0x6a: {  	_ =	shalt  }
0x6b: {  	_ =	shalt  }
0x6c: {  	_ =	shalt  }
0x6d: {  	_ =	shalt  }
0x6e: {  	_ =	shalt  }
0x6f: {  	_ =	shalt  }
0x70: {  	_ =	shalt  }
0x71: {  	_ =	shalt  }
0x72: {  	_ =	shalt  }
0x73: {  	_ =	shalt  }
0x74: {  	_ =	shalt  }
0x75: {  	_ =	shalt  }
0x76: {  	_ =	shalt  }
0x77: {  	_ =	shalt  }
0x78: {  	_ =	shalt  }
0x79: {  	_ =	shalt  }
0x7a: {  	_ =	shalt  }
0x7b: {  	_ =	shalt  }
0x7c: {  	_ =	shalt  }
0x7d: {  	_ =	shalt  }
0x7e: {  	_ =	shalt  }
0x7f: {  	_ =	shalt  }
0x80: {  	_ =	shalt  }
0x81: {  	_ =	shalt  }
0x82: {  	_ =	shalt  }
0x83: {  	_ =	shalt  }
0x84: {  	_ =	shalt  }
0x85: {  	_ =	shalt  }
0x86: {  	_ =	shalt  }
0x87: {  	_ =	shalt  }
.Lfunc_end0:
.L_simem_size_0:
called_computation.1_lowered:
.L_overlay_start_0:
0x88: {  	s2 =	sld [smem:$0x3FD9]  }
0x89: {  	s3 =	sld [smem:$0x3FFE];
	_ =	sdelay $0x1  }
0x8a: {  	s1 =	srdreg.scid  }
0x8b: {  	s0 =	sand.u32 $0x1, s1  }
0x8c: {  	s16 =	sshll.u32 s0, $0xA;
	s2 =	sadd.s32 s3, s2  }
0x8d: {  	s2 =	sadd.s32 s2, s16  }
0x8e: {  	[smem:$0x3FC0] =	sst s2  }
0x8f: {  	_ = 	snop  }
0x90: {  	(tm) =	ssettm $0x1  }
0x91: {  	s17 =	sld [smem:$0x3FFB];
	_ =	sdelay $0x3  }
0x92: {  	_ =	strace s17  }
0x93: {  	s2 =	sld [smem:$0x3FFC];
	_ =	sdelay $0x3  }
0x94: {  	_ =	strace s2  }
0x95: {  	s2 =	sld [smem:$0x3FFD];
	_ =	sdelay $0x3  }
0x96: {  	_ =	strace s2  }
0x97: {  	_ =	strace $0x8FFFFFFF  }
0x98: {  	s18 =	sld [smem:$0x3FDB];
	_ =	sdelay $0x1  }
0x99: {  	s19 =	simm.s32 $_scs_section_size  }
0x9a: {  	s4 =	simm.s32 $_size__tile_overlayer_lowered;
	s5 =	simm.s32 $_tile_overlayer_lowered  }
0x9b: {  	s22 =	simm.s32 $0x1BFF;
	s21 =	sshll.u32 s5, $0x1;
	s2 =	sadd.s32 s19, s18  }
0x9c: {  	s6 =	simm.s32 $0x0;
	s20 =	sshll.u32 s4, $0x1;
	s4 =	sadd.s32 s21, s2  }
0x9d: {  	[timem:s6], [sflag:s22] =	dma.local [hbm:s4], s20  }
0x9e: {  	_ =	swait.ge [sflag:s22], s20  }
0x9f: {  	s3 =	ssub.s32 $0x0, s20;
	[sflag:s22] =	ssyncset.done $0x0  }
0xa0: {  	[sflag:s22] =	ssyncadd.s32 s3;
	_ =	sdelay $0x1  }
0xa1: {  	s23 =	simm.s32 $0x1B8B  }
0xa2: {  	_ =	swait.ge [sflag:s23], $0x1  }
0xa3: {  	[sflag:s23] =	ssyncset.done $0x0  }
0xa4: {  	s25 =	simm.s32 $0x1B8E;
	s24 =	sld [smem:$0x3FFE];
	[sflag:s23] =	ssyncadd.s32 $0xFFFFFFFF  }
0xa5: {  	s26 =	simm.s32 $execute0_lowered;
	[smem:$0x3FD2] =	sst s25  }
0xa6: {  	s4 =	sshll.u32 s26, $0x1;
	_ =	strace $0x80000049;
	[dreg:$0x1] =	wrdreg $0xFFFFFFFF  }
0xa7: {  	s28 =	simm.s32 $_size_execute0_lowered;
	s2 =	sadd.s32 s2, s4;
	[dreg:$0x0] =	wrdreg $0x0  }
0xa8: {  	s4 =	sshll.u32 s28, $0x1;
	[dreg:$0x2] =	wrdreg s2  }
0xa9: {  	[dreg:$0x3] =	wrdreg s4  }
0xaa: {  	[dreg:$0x4] =	wrdreg $0xC0  }
0xab: {  	_ =	task [dreg:s6], $0x5FFFF  }
0xac: {  	[dreg:$0x1] =	wrdreg $0xFFFFFFFF  }
0xad: {  	[dreg:$0x0] =	wrdreg $0x60  }
0xae: {  	[dreg:$0x2] =	wrdreg s24  }
0xaf: {  	[dreg:$0x3] =	wrdreg $0x83000  }
0xb0: {  	[dreg:$0x4] =	wrdreg $0x9  }
0xb1: {  	_ =	task.clear_ibuf [dreg:s6], $0x5FFFF;
	_ =	strace $0x90000049  }
0xb2: {  	s29 =	simm.s32 $0x9;
	_ =	strace $0x8000004B  }
0xb3: {  	_ =	swait.ge [sflag:s29], $0x1  }
0xb4: {  	[sflag:s29] =	ssyncadd.s32 $0xFFFFFFFF  }
0xb5: {  	_ =	strace $0x9000004B  }
0xb6: {  	_ =	sfence  }
0xb7: {  	s30 =	sld [smem:$0x0];
	_ =	sdelay $0x2  }
0xb8: {  	s31 =	sshll.u32 s1, $0xD;
	s1 =	sshrl.u32 s1, $0x2  }
0xb9: {  	s3 =	sand.u32 $0x4000, s31;
	s1 =	sadd.s32 s1, s30  }
0xba: {  	s0 =	sor.u32 s3, s0;
	s1 =	sshll.u32 s1, $0x11  }
0xbb: {  	s0 =	sor.u32 s1, s0  }
0xbc: {  	s0 =	sadd.s32 $0x8F2B, s0  }
0xbd: {  	[sflag:s0] =	ssyncadd.remote.s32 $0x1  }
0xbe: {  	_ =	sfence.sel $0xFFFF  }
0xbf: {  	[dreg:$0x0] =	wrdreg $0xFFFFFFFF;
	(pc) =	sbr.abs _section_cstart, $3  }
0xc0: {  	[dreg:$0x1] =	wrdreg $0xFFFFFFFF  }
0xc1: {  	_ =	task.clear_ibuf [dreg:s6], $0x2FFFF;
	_ =	strace $0x9FFFFFFF  }
0xc2: {  	(tm) =	ssettm $0x7FFFFFFF  }
0xc3: {  	_ =	shalt  }
tec
execute0_lowered:
.L_overlay_start_1:
0x0: {  	(tag) =	ssettag $0x1  }
0x1: {  	s1 =	srdreg.scid;
	s0 =	stileid.u32  }
0x2: {  	s5 =	rddreg [dreg:$0x0];
	s11 =	smul.u32 $0x14000, s0  }
0x3: {  	s2 =	rddreg [dreg:$0x1];
	s13 =	smul.u32 $0x280, s0  }
0x4: {  	s3 =	simm.s32 $0x0;
	s18 =	simm.s32 $0x1;
	s15 =	smul.u32 $0x4E20, s0  }
0x5: {  	s19 =	simm.s32 $0x80;
	s9 =	sand.u32 $0x1, s1;
	s20 =	smul.u32 $0xA00, s0  }
0x6: {  	s23 =	sshll.u32 s0, $0x1;
	[smem:$0x7FF] =	sst s3;
	s8 =	smul.u32 $0xA000, s9  }
0x7: {  	s12 =	sadd.s32 $0x3200, s5;
	s1 =	sor.u32 s9, s23;
	s17 =	smul.u32 $0x2710, s9  }
0x8: {  	s10 =	ssub.s32 $0x2, s9;
	s4 =	smul.u32 $0x2710, s1;
	s1 =	rddreg [dreg:$0x2]  }
0x9: {  	_ =	strace $0x8000004A;
	s24 =	sshrl.u32 s10, $0x1;
	s26 =	sshrl.u32 s11, $0x2  }
0xa: {  	s14 =	sadd.s32 $0xA0, s13;
	s16 =	sadd.s32 $0x140, s13;
	s13 =	sadd.s32 $0x1E0, s13  }
0xb: {  	s8 =	sadd.s32 s8, s5;
	s10 =	ssub.s32 s10, s24;
	s28 =	sshll.u32 s14, $0x5  }
0xc: {  	s29 =	sshll.u32 s16, $0x5;
	s30 =	sshll.u32 s13, $0x5;
	s15 =	sadd.s32 s17, s15  }
0xd: {  	s21 =	sshll.u32 s14, $0x2;
	s22 =	sshll.u32 s16, $0x2;
	s24 =	sshll.u32 s13, $0x2  }
0xe: {  	s13 =	simm.s32 $0x6F00;
	s14 =	simm.s32 $0x3;
	s16 =	simm.s32 $0x2  }
0xf: {  	s17 =	simm.s32 $0x4F00;
	s6 =	sshrl.u32 s4, $0x3;
	s4 =	sadd.s32 $0x65200, s5  }
0x10: {  	s23 =	sadd.s32 $0x6F000, s8;
	s8 =	smax.u32 s10, $0x1;
	s9 =	sadd.s32 s28, s2  }
0x11: {  	s10 =	sadd.s32 s29, s2;
	s11 =	sadd.s32 s30, s2;
	s31 =	sshrl.u32 s15, $0x3  }
0x12: {  	s15 =	simm.s32 $0x4E80;
	s7 =	sadd.s32 s6, s5;
	s25 =	sadd.s32 s12, s6  }
0x13: {  	s12 =	sadd.s32 s31, s12;
	s20 =	sadd.s32 s20, s23;
	s21 =	sadd.s32 s21, s23  }
0x14: {  	s22 =	sadd.s32 s22, s23;
	s23 =	sadd.s32 s24, s23;
	s24 =	simm.s32 $0x0  }
0x15: {  	v0 =	vimm.f32 $0.0e+00;
	v1 =	vimm.s32 $0x0;
	v2 =	vimm.s32 $0x2710;
	s5 =	sadd.s32 $0x4E0, s25;
	s6 =	sadd.s32 $0xD000, s7;
	s7 =	sadd.s32 s26, s2  }
.LBB2_1:
0x16: {  	s25 =	simm.s32 $0x80;
	s26 =	simm.s32 $0x0  }
.LBB2_2:
0x17: {  	p0 =	sne.s32 s25, $0x4F80;
	[tilespmem:s26+$0x6F00] =	vst v0;
	s28 =	smov.u32 s25;
	s25 =	sadd.s32 $0x80, s25  }
.Ltmp0:
0x18: {  	[tilespmem:s26+$0x6F10] =	vst v0;
	(pc) =	sbr.rel @p0 .LBB2_2-.Ltmp0, $2  }
0x19: {  	_ =	sdelay $0x2  }
0x1a: {  	s26 =	sshra.s32 s28, $0x2  }
0x1b: {  	[tilespmem:s26+$0x6F00] =	vst v0  }
0x1c: {  	[tilespmem:s26+$0x6F10] =	vst v0  }
0x1d: {  	[spmem:s7] =	stream.linear.scatter [tilespmem:s13], [sflag:$0x3], $0x1400, $0x38;
	[tilespmem:$0xD300] =	vst v63  }
0x1e: {  	_ =	swait.ge [sflag:s14], $0x1400  }
0x1f: {  	[sflag:s14] =	ssyncset.done $0x0  }
0x20: {  	[sflag:s14] =	ssyncadd.s32 $0xFFFFEC00  }
0x21: {  	[spmem:s9] =	stream.linear.scatter [tilespmem:s13], [sflag:$0x3], $0x1400, $0x38;
	[tilespmem:$0xD300] =	vst v63  }
0x22: {  	_ =	swait.ge [sflag:s14], $0x1400  }
0x23: {  	[sflag:s14] =	ssyncset.done $0x0  }
0x24: {  	[sflag:s14] =	ssyncadd.s32 $0xFFFFEC00  }
0x25: {  	[spmem:s10] =	stream.linear.scatter [tilespmem:s13], [sflag:$0x3], $0x1400, $0x38;
	[tilespmem:$0xD300] =	vst v63  }
0x26: {  	_ =	swait.ge [sflag:s14], $0x1400  }
0x27: {  	[sflag:s14] =	ssyncset.done $0x0  }
0x28: {  	[sflag:s14] =	ssyncadd.s32 $0xFFFFEC00  }
0x29: {  	[spmem:s11] =	stream.linear.scatter [tilespmem:s13], [sflag:$0x3], $0x1400, $0x38;
	[tilespmem:$0xD300] =	vst v63  }
0x2a: {  	_ =	swait.ge [sflag:s14], $0x1400  }
0x2b: {  	s25 =	simm.s32 $0x2780;
	s26 =	simm.s32 $0x10;
	[sflag:s14] =	ssyncset.done $0x0  }
0x2c: {  	s29 =	sadd.s32 $0x0, s12;
	s28 =	simm.s32 $0x2800;
	[sflag:s14] =	ssyncadd.s32 $0xFFFFEC00  }
.LBB2_4:
0x2d: {  	[tilespmem:s25], [sflag:$0x2] =	stream.linear.gather [hbm4b:s29+s3], $0x80, $0x38;
	[tilespmem:$0xD300] =	vst v63  }
0x2e: {  	s29 =	smov.u32 s26;
	s25 =	smov.u32 s28;
	p0 =	sne.s32 s26, $0x4D0  }
.Ltmp1:
0x2f: {  	s26 =	sadd.s32 $0x10, s26;
	(pc) =	sbr.rel @p0 .LBB2_4-.Ltmp1, $2  }
0x30: {  	_ =	sdelay $0x2  }
0x31: {  	s28 =	sadd.s32 $0x80, s28;
	s29 =	sadd.s32 s29, s12  }
0x32: {  	[tilespmem:s25], [sflag:$0x2] =	stream.linear.gather [hbm4b:s29+s3], $0x80, $0x38;
	[tilespmem:$0xD300] =	vst v63  }
0x33: {  	_ = 	snop  }
0x34: {  	[tilespmem:s15], [sflag:$0x2] =	stream.linear.gather [hbm4b:s5+s3], $0x10, $0x38;
	[tilespmem:$0xD300] =	vst v63  }
0x35: {  	_ = 	snop  }
0x36: {  	[tilespmem:s3], [sflag:$0x2] =	stream.linear.gather [hbm4b:s6+s3], $0x2710, $0x38;
	[tilespmem:$0xD300] =	vst v63  }
0x37: {  	[tilespmem:$0x2710] =	vst v1  }
0x38: {  	[tilespmem:$0x2720] =	vst v1  }
0x39: {  	[tilespmem:$0x2730] =	vst v1  }
0x3a: {  	[tilespmem:$0x2740] =	vst v1  }
0x3b: {  	[tilespmem:$0x2750] =	vst v1  }
0x3c: {  	[tilespmem:$0x2760] =	vst v1  }
0x3d: {  	[tilespmem:$0x2770] =	vst v1  }
0x3e: {  	[tilespmem:$0x4E90] =	vst v2  }
0x3f: {  	[tilespmem:$0x4EA0] =	vst v2  }
0x40: {  	[tilespmem:$0x4EB0] =	vst v2  }
0x41: {  	[tilespmem:$0x4EC0] =	vst v2  }
0x42: {  	[tilespmem:$0x4ED0] =	vst v2  }
0x43: {  	[tilespmem:$0x4EE0] =	vst v2  }
0x44: {  	[tilespmem:$0x4EF0] =	vst v2  }
0x45: {  	_ =	swait.ge [sflag:s16], $0x80  }
0x46: {  	s25 =	simm.s32 $0x4D;
	[sflag:s16] =	ssyncset.done $0x0  }
.LBB2_6:
0x47: {  	p0 =	sne.s32 s25, $0x1;
	s25 =	sadd.s32 $0xFFFFFFFF, s25;
	[sflag:s16] =	ssyncadd.s32 $0xFFFFFF80  }
.Ltmp2:
0x48: {  	(pc) =	sbr.rel @p0 .LBB2_6-.Ltmp2, $3  }
0x49: {  	_ =	sdelay $0x1  }
0x4a: {  	_ =	swait.ge [sflag:s16], $0x80  }
0x4b: {  	[sflag:s16] =	ssyncset.done $0x0  }
0x4c: {  	[sflag:s16] =	ssyncadd.s32 $0xFFFFFF80  }
0x4d: {  	_ =	swait.ge [sflag:s16], $0x10  }
0x4e: {  	[sflag:s16] =	ssyncset.done $0x0  }
0x4f: {  	[sflag:s16] =	ssyncadd.s32 $0xFFFFFFF0  }
0x50: {  	_ =	swait.ge [sflag:s16], $0x2710  }
0x51: {  	[sflag:s16] =	ssyncset.done $0x0  }
0x52: {  	[sflag:s16] =	ssyncadd.s32 $0xFFFFD8F0  }
0x53: {  	s25 =	simm.s32 $0x80;
	s26 =	simm.s32 $0x0;
	[bflag:$0x0] =	sbarrier.arrive $0xFFFF  }
0x54: {  	[tilespmem:s17], [sflag:$0x1] =	stream.indirect.gather [hbm4b:s4+s25], $0x20, s26, s25, $0xb8;
	[tilespmem:$0xD300] =	vst v63  }
0x55: {  	s31 =	simm.s32 $0x0;
	_ =	swait.ge [sflag:s18], $0x1000  }
0x56: {  	s28 =	sand.u32 $0x1000, s31;
	[sflag:s18] =	ssyncset.done $0x0  }
0x57: {  	s26 =	sxor.u32 $0x5F00, s28;
	[sflag:s18] =	ssyncadd.s32 $0xFFFFF000  }
0x58: {  	[tilespmem:s26], [sflag:$0x1] =	stream.indirect.gather [hbm4b:s4+s19], $0x20, s25, s19, $0xb8;
	[tilespmem:$0xD300] =	vst v63  }
0x59: {  	s28 =	sor.u32 $0x4F00, s28;
	s26 =	simm.s32 $0x2780  }
0x5a: {  	[spmem:s2] =	stream.indirect.scatter.add.f32 [tilespmem:s28], [sflag:$0x3], $0x20, s26, s19, $0xb8;
	[tilespmem:$0xD300] =	vst v63  }
0x5b: {  	_ =	swait.ge [sflag:s14], $0x1000  }
0x5c: {  	s28 =	simm.s32 $0x1;
	[sflag:s14] =	ssyncset.done $0x0  }
.LBB2_8:
0x5d: {  	[sflag:s14] =	ssyncadd.s32 $0xFFFFF000;
	s26 =	sadd.s32 $0x80, s26;
	s25 =	sadd.s32 $0x80, s25  }
0x5e: {  	p0 =	sne.s32 s28, $0x4D;
	s29 =	smov.u32 s28;
	s28 =	sadd.s32 $0x1, s28  }
0x5f: {  	s29 =	sshll.u32 s29, $0xC;
	_ =	swait.ge [sflag:s18], $0x1000  }
0x60: {  	s29 =	sand.u32 $0x1000, s29;
	[sflag:s18] =	ssyncset.done $0x0  }
0x61: {  	s30 =	sxor.u32 $0x5F00, s29;
	[sflag:s18] =	ssyncadd.s32 $0xFFFFF000  }
0x62: {  	[tilespmem:s30], [sflag:$0x1] =	stream.indirect.gather [hbm4b:s4+s19], $0x20, s25, s19, $0xb8;
	[tilespmem:$0xD300] =	vst v63  }
.Ltmp3:
0x63: {  	_ = 	snop;
	(pc) =	sbr.rel @p0 .LBB2_8-.Ltmp3, $4  }
0x64: {  	s29 =	sor.u32 $0x4F00, s29  }
0x65: {  	[spmem:s2] =	stream.indirect.scatter.add.f32 [tilespmem:s29], [sflag:$0x3], $0x20, s26, s19, $0xb8;
	[tilespmem:$0xD300] =	vst v63  }
0x66: {  	_ =	swait.ge [sflag:s14], $0x1000  }
0x67: {  	[sflag:s14] =	ssyncset.done $0x0  }
0x68: {  	[sflag:s14] =	ssyncadd.s32 $0xFFFFF000  }
0x69: {  	_ =	swait.ge [sflag:s18], $0x1000  }
0x6a: {  	[sflag:s18] =	ssyncset.done $0x0  }
0x6b: {  	[sflag:s18] =	ssyncadd.s32 $0xFFFFF000  }
0x6c: {  	[spmem:s2] =	stream.indirect.scatter.add.f32 [tilespmem:s17], [sflag:$0x3], $0x20, s15, s19, $0xb8;
	[tilespmem:$0xD300] =	vst v63  }
0x6d: {  	_ =	swait.ge [sflag:s14], $0x1000  }
0x6e: {  	[sflag:s14] =	ssyncset.done $0x0  }
0x6f: {  	[sflag:s14] =	ssyncadd.s32 $0xFFFFF000  }
0x70: {  	[bflag:$0x0] =	sbarrier.arrive $0xFFFF  }
0x71: {  	[tilespmem:s13], [sflag:$0x3] =	stream.linear.gather [spmem:s7], $0x1400, $0x38;
	[tilespmem:$0xD300] =	vst v63  }
0x72: {  	_ =	swait.ge [sflag:s14], $0x1400  }
0x73: {  	[sflag:s14] =	ssyncset.done $0x0  }
0x74: {  	[sflag:s14] =	ssyncadd.s32 $0xFFFFEC00  }
0x75: {  	[hbm4b:s20+s3] =	stream.linear.scatter [tilespmem:s13], [sflag:$0x3], $0x1400, $0x38;
	[tilespmem:$0xD300] =	vst v63  }
0x76: {  	_ =	swait.ge [sflag:s14], $0x1400  }
0x77: {  	[sflag:s14] =	ssyncset.done $0x0  }
0x78: {  	[sflag:s14] =	ssyncadd.s32 $0xFFFFEC00  }
0x79: {  	[tilespmem:s13], [sflag:$0x3] =	stream.linear.gather [spmem:s9], $0x1400, $0x38;
	[tilespmem:$0xD300] =	vst v63  }
0x7a: {  	_ =	swait.ge [sflag:s14], $0x1400  }
0x7b: {  	[sflag:s14] =	ssyncset.done $0x0  }
0x7c: {  	[sflag:s14] =	ssyncadd.s32 $0xFFFFEC00  }
0x7d: {  	[hbm4b:s21+s3] =	stream.linear.scatter [tilespmem:s13], [sflag:$0x3], $0x1400, $0x38;
	[tilespmem:$0xD300] =	vst v63  }
0x7e: {  	_ =	swait.ge [sflag:s14], $0x1400  }
0x7f: {  	[sflag:s14] =	ssyncset.done $0x0  }
0x80: {  	[sflag:s14] =	ssyncadd.s32 $0xFFFFEC00  }
0x81: {  	[tilespmem:s13], [sflag:$0x3] =	stream.linear.gather [spmem:s10], $0x1400, $0x38;
	[tilespmem:$0xD300] =	vst v63  }
0x82: {  	_ =	swait.ge [sflag:s14], $0x1400  }
0x83: {  	[sflag:s14] =	ssyncset.done $0x0  }
0x84: {  	[sflag:s14] =	ssyncadd.s32 $0xFFFFEC00  }
0x85: {  	[hbm4b:s22+s3] =	stream.linear.scatter [tilespmem:s13], [sflag:$0x3], $0x1400, $0x38;
	[tilespmem:$0xD300] =	vst v63  }
0x86: {  	_ =	swait.ge [sflag:s14], $0x1400  }
0x87: {  	[sflag:s14] =	ssyncset.done $0x0  }
0x88: {  	[sflag:s14] =	ssyncadd.s32 $0xFFFFEC00  }
0x89: {  	[tilespmem:s13], [sflag:$0x3] =	stream.linear.gather [spmem:s11], $0x1400, $0x38;
	[tilespmem:$0xD300] =	vst v63  }
0x8a: {  	s24 =	sadd.s32 $0x1, s24;
	_ =	swait.ge [sflag:s14], $0x1400  }
0x8b: {  	p0 =	sne.s32 s24, s8;
	[sflag:s14] =	ssyncset.done $0x0  }
.Ltmp4:
0x8c: {  	[sflag:s14] =	ssyncadd.s32 $0xFFFFEC00;
	(pc) =	sbr.rel @p0 .LBB2_1-.Ltmp4, $4  }
0x8d: {  	[hbm4b:s23+s3] =	stream.linear.scatter [tilespmem:s13], [sflag:$0x3], $0x1400, $0x38;
	[tilespmem:$0xD300] =	vst v63  }
0x8e: {  	_ =	swait.ge [sflag:s14], $0x1400  }
0x8f: {  	[sflag:s14] =	ssyncset.done $0x0  }
0x90: {  	[sflag:s14] =	ssyncadd.s32 $0xFFFFEC00  }
0x91: {  	_ =	sfence.sel $0x180000  }
0x92: {  	[bflag:$0x0] =	sbarrier.arrive $0xFFFF  }
0x93: {  	p0 =	sne.s32 s0, $0x0;
	_ =	strace $0x9000004A  }
0x94: {  	s0 =	sadd.s32 @!p0 $0x100000, s1;
	[bflag:$0x2] =	sbarrier.arrive $0xFFFF  }
0x95: {  	[sflag:s0] =	ssyncadd.tile.s32 @!p0 $0x1;
	_ =	shalt  }
.Lfunc_end2:
_tile_overlayer_lowered:
.L_overlay_start_2:
0x96: {  	(tag) =	ssettag $0x2  }
0x97: {  	s0 =	rddreg [dreg:$0x0];
	s2 =	stileid.u32  }
0x98: {  	s1 =	rddreg [dreg:$0x1];
	p0 =	sne.s32 s2, $0x0  }
0x99: {  	s3 =	rddreg [dreg:$0x2];
	[bflag:$0x3] =	sbarrier.arrive $0xFFFF;
	s2 =	simm.s32 @!p0 $0x1C03  }
0x9a: {  	[timem:s3], [sflag:s2] =	dma.local @!p0 [hbm:s0], s1  }
0x9b: {  	s0 =	simm.s32 @!p0 $0x3  }
0x9c: {  	_ =	swait.ge @!p0 [sflag:s0], s1  }
0x9d: {  	s1 =	ssub.s32 @!p0 $0x0, s1;
	[sflag:s0] =	ssyncset.done @!p0 $0x0  }
0x9e: {  	[sflag:s0] =	ssyncadd.s32 @!p0 s1  }
0x9f: {  	[bflag:$0x3] =	sbarrier.arrive $0xFFFF  }
0xa0: {  	_ =	shalt  }

// kernel: kernel.14.cloned.1.call-start
scs
__scs_entry_jumppad:
0x0: {  	(pc) =	sbr.rel $0x88, $3  }
0x1: {  	(tag) =	ssettag $0x0;
	lr =	simm.s32 $0x1  }
0x2: {  	[smem:$0x3F99] =	sst lr;
	_ =	strace $0xD0000000  }
0x3: {  	_ = 	snop  }
0x4: {  	_ = 	snop  }
0x5: {  	_ = 	snop  }
0x6: {  	_ = 	snop  }
0x7: {  	_ = 	snop  }
__scs_overlays_trampoline_lowered:
0x8: {  	[smem:$0x3FA8] =	sst s0  }
0x9: {  	[smem:$0x3FA9] =	sst s1  }
0xa: {  	[smem:$0x3FAA] =	sst s2  }
0xb: {  	[smem:$0x3FAB] =	sst s3  }
0xc: {  	[smem:$0x3FAC] =	sst s4  }
0xd: {  	[smem:$0x3FAD] =	sst s5  }
0xe: {  	[smem:$0x3FAE] =	sst s6  }
0xf: {  	[smem:$0x3FAF] =	sst s7  }
0x10: {  	[smem:$0x3FB0] =	sst s8  }
0x11: {  	[smem:$0x3FB1] =	sst s9;
	s0 =	simm.s32 @!p0 $0x0  }
0x12: {  	s1 =	sld [smem:$0x3F97];
	s0 =	simm.s32 @p0 $0x1  }
0x13: {  	[smem:$0x3FB2] =	sst s0;
	s0 =	simm.s32 @!p1 $0x0  }
0x14: {  	s2 =	sld [smem:$0x3F96];
	s0 =	simm.s32 @p1 $0x1  }
0x15: {  	[smem:$0x3FB3] =	sst s0;
	s0 =	simm.s32 @!p2 $0x0  }
0x16: {  	s3 =	sld [smem:$0x3FDB];
	s0 =	simm.s32 @p2 $0x1  }
0x17: {  	s4 =	simm.s32 $0x1BF5;
	[smem:$0x3FB5] =	sst s0  }
0x18: {  	s0 =	sld [smem:$0x3F98];
	_ =	swait.ge [sflag:s4], $0x0  }
0x19: {  	s7 =	sld [smem:$0x3F99]  }
0x1a: {  	s8 =	sadd.s32 $0xFFFFE003, lr  }
0x1b: {  	s9 =	sadd.s32 $0xFFFFFEF7, lr;
	s5 =	simm.s32 $0xFFFFFFFF;
	p2 =	slt.u32 s8, $0xFFFFF086  }
0x1c: {  	p1 =	slt.u32 s9, $0xF7A;
	s5 =	simm.s32 @!p2 $0x0  }
0x1d: {  	s5 =	simm.s32 @p1 $0x1;
	p0 =	seq.s32 s7, s2  }
0x1e: {  	s7 =	smul.u32 @!p0 $0xF7A, s2;
	p2 =	seq.s32 @!p0 s5, $0x0  }
0x1f: {  	s9 =	smul.u32 $0xF7A, s1;
	s8 =	simm.s32 @!p0 $0x1BF5;
	p2 =	por !p2, p0  }
0x20: {  	[sflag:s8] =	ssyncset.s32 @!p0 $0xFFFFF086;
	s6 =	sadd.s32 @!p0 s3, s7;
	s7 =	simm.s32 @!p0 $0x108  }
0x21: {  	s3 =	sadd.s32 s3, s9;
	s6 =	sadd.s32 @!p0 $0x88, s6;
	s7 =	simm.s32 @p2 $0x1082  }
0x22: {  	[simem:s7], [sflag:s8] =	dma.local @!p0 [hbm:s6], $0xF7A  }
0x23: {  	s9 =	sor.u32 $0xD0000000, s2;
	s6 =	simm.s32 $0x108;
	_ =	swait.ge @!p0 [sflag:s8], $0x0  }
0x24: {  	s3 =	sadd.s32 $0x88, s3;
	s6 =	simm.s32 @!p1 $0x1082;
	[sflag:s4] =	ssyncset.s32 $0xFFFFF086  }
0x25: {  	[simem:s6], [sflag:s4] =	dma.local [hbm:s3], $0xF7A  }
0x26: {  	[smem:$0x3F99] =	sst s1;
	(tag) =	ssettag s2;
	_ =	strace s9  }
0x27: {  	s1 =	sld [smem:$0x3FA9]  }
0x28: {  	s2 =	sld [smem:$0x3FAA]  }
0x29: {  	s4 =	sld [smem:$0x3FAC]  }
0x2a: {  	p0 =	seq.s32 s5, $0x0;
	s5 =	sld [smem:$0x3FAD]  }
0x2b: {  	s6 =	sld [smem:$0x3FAE]  }
0x2c: {  	s7 =	sld [smem:$0x3FAF]  }
0x2d: {  	s3 =	simm.s32 $0x108;
	s8 =	sld [smem:$0x3FB0]  }
0x2e: {  	s3 =	simm.s32 @!p0 $0x1082;
	s9 =	sld [smem:$0x3FB1]  }
0x2f: {  	lr =	sadd.s32 s0, s3;
	s0 =	sld [smem:$0x3FA8]  }
0x30: {  	s3 =	sld [smem:$0x3FAB]  }
0x31: {  	[smem:$0x3FB4] =	sst s10  }
0x32: {  	s10 =	sld [smem:$0x3FB2];
	_ =	sdelay $0x3  }
0x33: {  	p0 =	seq.s32 s10, $0x1;
	s10 =	sld [smem:$0x3FB4];
	_ =	sdelay $0x3  }
0x34: {  	[smem:$0x3FB4] =	sst s10  }
0x35: {  	s10 =	sld [smem:$0x3FB3];
	_ =	sdelay $0x3  }
0x36: {  	p1 =	seq.s32 s10, $0x1;
	s10 =	sld [smem:$0x3FB4];
	_ =	sdelay $0x3  }
0x37: {  	[smem:$0x3FB4] =	sst s10  }
0x38: {  	s10 =	sld [smem:$0x3FB5]  }
0x39: {  	_ = 	snop;
	(pc) =	sbr.ind lr, $3  }
0x3a: {  	_ = 	snop  }
0x3b: {  	_ = 	snop  }
0x3c: {  	p2 =	seq.s32 s10, $0x1;
	s10 =	sld [smem:$0x3FB4]  }
0x3d: {  	_ =	shalt  }
0x3e: {  	_ =	shalt  }
0x3f: {  	_ =	shalt  }
0x40: {  	_ =	shalt  }
0x41: {  	_ =	shalt  }
0x42: {  	_ =	shalt  }
0x43: {  	_ =	shalt  }
0x44: {  	_ =	shalt  }
0x45: {  	_ =	shalt  }
0x46: {  	_ =	shalt  }
0x47: {  	_ =	shalt  }
0x48: {  	_ =	shalt  }
0x49: {  	_ =	shalt  }
0x4a: {  	_ =	shalt  }
0x4b: {  	_ =	shalt  }
0x4c: {  	_ =	shalt  }
0x4d: {  	_ =	shalt  }
0x4e: {  	_ =	shalt  }
0x4f: {  	_ =	shalt  }
0x50: {  	_ =	shalt  }
0x51: {  	_ =	shalt  }
0x52: {  	_ =	shalt  }
0x53: {  	_ =	shalt  }
0x54: {  	_ =	shalt  }
0x55: {  	_ =	shalt  }
0x56: {  	_ =	shalt  }
0x57: {  	_ =	shalt  }
0x58: {  	_ =	shalt  }
0x59: {  	_ =	shalt  }
0x5a: {  	_ =	shalt  }
0x5b: {  	_ =	shalt  }
0x5c: {  	_ =	shalt  }
0x5d: {  	_ =	shalt  }
0x5e: {  	_ =	shalt  }
0x5f: {  	_ =	shalt  }
0x60: {  	_ =	shalt  }
0x61: {  	_ =	shalt  }
0x62: {  	_ =	shalt  }
0x63: {  	_ =	shalt  }
0x64: {  	_ =	shalt  }
0x65: {  	_ =	shalt  }
0x66: {  	_ =	shalt  }
0x67: {  	_ =	shalt  }
0x68: {  	_ =	shalt  }
0x69: {  	_ =	shalt  }
0x6a: {  	_ =	shalt  }
0x6b: {  	_ =	shalt  }
0x6c: {  	_ =	shalt  }
0x6d: {  	_ =	shalt  }
0x6e: {  	_ =	shalt  }
0x6f: {  	_ =	shalt  }
0x70: {  	_ =	shalt  }
0x71: {  	_ =	shalt  }
0x72: {  	_ =	shalt  }
0x73: {  	_ =	shalt  }
0x74: {  	_ =	shalt  }
0x75: {  	_ =	shalt  }
0x76: {  	_ =	shalt  }
0x77: {  	_ =	shalt  }
0x78: {  	_ =	shalt  }
0x79: {  	_ =	shalt  }
0x7a: {  	_ =	shalt  }
0x7b: {  	_ =	shalt  }
0x7c: {  	_ =	shalt  }
0x7d: {  	_ =	shalt  }
0x7e: {  	_ =	shalt  }
0x7f: {  	_ =	shalt  }
0x80: {  	_ =	shalt  }
0x81: {  	_ =	shalt  }
0x82: {  	_ =	shalt  }
0x83: {  	_ =	shalt  }
0x84: {  	_ =	shalt  }
0x85: {  	_ =	shalt  }
0x86: {  	_ =	shalt  }
0x87: {  	_ =	shalt  }
.Lfunc_end0:
.L_simem_size_0:
called_computation.2_lowered:
.L_overlay_start_0:
0x88: {  	s2 =	sld [smem:$0x3FD9]  }
0x89: {  	s3 =	sld [smem:$0x3FFE];
	_ =	sdelay $0x1  }
0x8a: {  	s1 =	srdreg.scid  }
0x8b: {  	s0 =	sand.u32 $0x1, s1  }
0x8c: {  	s17 =	sshll.u32 s0, $0xA;
	s2 =	sadd.s32 s3, s2  }
0x8d: {  	s2 =	sadd.s32 s2, s17  }
0x8e: {  	[smem:$0x3FC0] =	sst s2  }
0x8f: {  	_ = 	snop  }
0x90: {  	s2 =	sld [smem:$0x3FD0];
	(tm) =	ssettm $0x1  }
0x91: {  	s18 =	sld [smem:$0x3FFB];
	_ =	sdelay $0x3  }
0x92: {  	_ =	strace s18  }
0x93: {  	s3 =	sld [smem:$0x3FFC];
	_ =	sdelay $0x3  }
0x94: {  	_ =	strace s3  }
0x95: {  	s3 =	sld [smem:$0x3FFD];
	_ =	sdelay $0x3  }
0x96: {  	_ =	strace s3  }
0x97: {  	_ =	strace $0x8FFFFFFF  }
0x98: {  	s19 =	sld [smem:$0x3FDB];
	_ =	sdelay $0x1  }
0x99: {  	s4 =	simm.s32 $_scs_section_size  }
0x9a: {  	s5 =	simm.s32 $_size__tile_overlayer_lowered;
	s6 =	simm.s32 $_tile_overlayer_lowered  }
0x9b: {  	s22 =	simm.s32 $0x1BFF;
	s21 =	sshll.u32 s6, $0x1;
	s3 =	sadd.s32 s4, s19  }
0x9c: {  	s7 =	simm.s32 $0x0;
	s20 =	sshll.u32 s5, $0x1;
	s5 =	sadd.s32 s21, s3  }
0x9d: {  	[timem:s7], [sflag:s22] =	dma.local [hbm:s5], s20  }
0x9e: {  	_ =	swait.ge [sflag:s22], s20  }
0x9f: {  	s4 =	ssub.s32 $0x0, s20;
	[sflag:s22] =	ssyncset.done $0x0  }
0xa0: {  	[sflag:s22] =	ssyncadd.s32 s4;
	_ =	sdelay $0x1  }
0xa1: {  	s23 =	simm.s32 $0x1B8B  }
0xa2: {  	_ =	swait.ge [sflag:s23], $0x1  }
0xa3: {  	[sflag:s23] =	ssyncset.done $0x0  }
0xa4: {  	s25 =	simm.s32 $0x1B8E;
	s24 =	sld [smem:$0x3FFE];
	[sflag:s23] =	ssyncadd.s32 $0xFFFFFFFF  }
0xa5: {  	s26 =	simm.s32 $execute0_lowered;
	[smem:$0x3FD2] =	sst s25  }
0xa6: {  	s5 =	sshll.u32 s26, $0x1;
	_ =	strace $0x8000004C;
	[dreg:$0x1] =	wrdreg $0xFFFFFFFF  }
0xa7: {  	s28 =	simm.s32 $_size_execute0_lowered;
	s3 =	sadd.s32 s3, s5;
	[dreg:$0x0] =	wrdreg $0x0  }
0xa8: {  	s5 =	sshll.u32 s28, $0x1;
	[dreg:$0x2] =	wrdreg s3  }
0xa9: {  	[dreg:$0x3] =	wrdreg s5  }
0xaa: {  	[dreg:$0x4] =	wrdreg $0xC0  }
0xab: {  	_ =	task [dreg:s7], $0x5FFFF  }
0xac: {  	[dreg:$0x1] =	wrdreg $0xFFFFFFFF  }
0xad: {  	[dreg:$0x0] =	wrdreg $0x60  }
0xae: {  	[dreg:$0x2] =	wrdreg s24  }
0xaf: {  	[dreg:$0x3] =	wrdreg s2  }
0xb0: {  	[dreg:$0x4] =	wrdreg $0x69000  }
0xb1: {  	[dreg:$0x5] =	wrdreg $0x9  }
0xb2: {  	_ =	task.clear_ibuf [dreg:s7], $0x6FFFF;
	_ =	strace $0x9000004C  }
0xb3: {  	s29 =	simm.s32 $0x9;
	_ =	strace $0x8000004E  }
0xb4: {  	_ =	swait.ge [sflag:s29], $0x1  }
0xb5: {  	[sflag:s29] =	ssyncadd.s32 $0xFFFFFFFF  }
0xb6: {  	_ =	strace $0x9000004E  }
0xb7: {  	_ =	sfence  }
0xb8: {  	s30 =	sld [smem:$0x0];
	_ =	sdelay $0x2  }
0xb9: {  	s31 =	sshll.u32 s1, $0xD;
	s1 =	sshrl.u32 s1, $0x2  }
0xba: {  	s3 =	sand.u32 $0x4000, s31;
	s1 =	sadd.s32 s1, s30  }
0xbb: {  	s0 =	sor.u32 s3, s0;
	s1 =	sshll.u32 s1, $0x11  }
0xbc: {  	s0 =	sor.u32 s1, s0  }
0xbd: {  	s0 =	sadd.s32 $0x8F2B, s0  }
0xbe: {  	[sflag:s0] =	ssyncadd.remote.s32 $0x1  }
0xbf: {  	_ =	sfence.sel $0xFFFF  }
0xc0: {  	[dreg:$0x0] =	wrdreg $0xFFFFFFFF;
	(pc) =	sbr.abs _section_cstart, $3  }
0xc1: {  	[dreg:$0x1] =	wrdreg $0xFFFFFFFF  }
0xc2: {  	_ =	task.clear_ibuf [dreg:s7], $0x2FFFF;
	_ =	strace $0x9FFFFFFF  }
0xc3: {  	(tm) =	ssettm $0x7FFFFFFF  }
tec
execute0_lowered:
.L_overlay_start_1:
0x0: {  	(tag) =	ssettag $0x1  }
0x1: {  	s1 =	srdreg.scid;
	s0 =	stileid.u32  }
0x2: {  	s4 =	rddreg [dreg:$0x0];
	s10 =	smul.u32 $0x280, s0  }
0x3: {  	s7 =	rddreg [dreg:$0x1];
	s13 =	smul.u32 $0xA000, s0  }
0x4: {  	s2 =	rddreg [dreg:$0x2];
	s3 =	simm.s32 $0x0;
	s14 =	smul.u32 $0x4E20, s0  }
0x5: {  	s18 =	simm.s32 $0x1;
	s9 =	sand.u32 $0x1, s1;
	s20 =	smul.u32 $0x500, s0  }
0x6: {  	s19 =	simm.s32 $0x80;
	s24 =	sshll.u32 s0, $0x1;
	s25 =	smul.u32 $0x5000, s9  }
0x7: {  	[smem:$0x7FF] =	sst s3;
	s1 =	sor.u32 s9, s24;
	s17 =	smul.u32 $0x2710, s9  }
0x8: {  	s12 =	sadd.s32 $0x3200, s4;
	s8 =	ssub.s32 $0x2, s9;
	s5 =	smul.u32 $0x2710, s1  }
0x9: {  	s1 =	rddreg [dreg:$0x3];
	_ =	strace $0x8000004D;
	s11 =	sshrl.u32 s8, $0x1  }
0xa: {  	s13 =	sshrl.u32 s13, $0x2;
	s26 =	sadd.s32 $0xA0, s10;
	s15 =	sadd.s32 $0x140, s10  }
0xb: {  	s16 =	sadd.s32 $0x1E0, s10;
	s8 =	ssub.s32 s8, s11;
	s23 =	sadd.s32 s7, s25  }
0xc: {  	s7 =	sadd.s32 s13, s2;
	s28 =	sshll.u32 s26, $0x4;
	s29 =	sshll.u32 s15, $0x4  }
0xd: {  	s30 =	sshll.u32 s16, $0x4;
	s14 =	sadd.s32 s17, s14;
	s21 =	sshll.u32 s26, $0x1  }
0xe: {  	s22 =	sshll.u32 s15, $0x1;
	s24 =	sshll.u32 s16, $0x1;
	s13 =	simm.s32 $0x5F00  }
0xf: {  	s15 =	simm.s32 $0x4E80;
	s16 =	simm.s32 $0x2;
	s17 =	simm.s32 $0x4F00  }
0x10: {  	s5 =	sshrl.u32 s5, $0x3;
	s8 =	smax.u32 s8, $0x1;
	s9 =	sadd.s32 s28, s2  }
0x11: {  	s10 =	sadd.s32 s29, s2;
	s11 =	sadd.s32 s30, s2;
	s31 =	sshrl.u32 s14, $0x3  }
0x12: {  	s14 =	simm.s32 $0x3;
	s20 =	sadd.s32 s20, s23;
	s21 =	sadd.s32 s21, s23  }
0x13: {  	s22 =	sadd.s32 s22, s23;
	s23 =	sadd.s32 s24, s23;
	s24 =	simm.s32 $0x0  }
0x14: {  	s6 =	sadd.s32 s5, s4;
	s4 =	sadd.s32 $0x8C400, s4;
	s5 =	sadd.s32 s12, s5  }
0x15: {  	v0 =	vimm.f32 $0.0e+00;
	v1 =	vimm.s32 $0x0;
	v2 =	vimm.s32 $0x2710;
	s12 =	sadd.s32 s31, s12;
	s5 =	sadd.s32 $0x4E0, s5;
	s6 =	sadd.s32 $0xD000, s6  }
.LBB2_1:
0x16: {  	s25 =	simm.s32 $0x40;
	s26 =	simm.s32 $0x0  }
.LBB2_2:
0x17: {  	p0 =	sne.s32 s25, $0x27C0;
	[tilespmem:s26+$0x5F00] =	vst v0;
	s26 =	smov.u32 s25;
	s25 =	sadd.s32 $0x40, s25  }
.Ltmp0:
0x18: {  	(pc) =	sbr.rel @p0 .LBB2_2-.Ltmp0, $2  }
0x19: {  	_ =	sdelay $0x2  }
0x1a: {  	s26 =	sshra.s32 s26, $0x2  }
0x1b: {  	[tilespmem:s26+$0x5F00] =	vst v0  }
0x1c: {  	[spmem:s7] =	stream.linear.scatter [tilespmem:s13], [sflag:$0x3], $0xA00, $0x38;
	[tilespmem:$0x9100] =	vst v63  }
0x1d: {  	_ =	swait.ge [sflag:s14], $0xA00  }
0x1e: {  	[sflag:s14] =	ssyncset.done $0x0  }
0x1f: {  	[sflag:s14] =	ssyncadd.s32 $0xFFFFF600  }
0x20: {  	[spmem:s9] =	stream.linear.scatter [tilespmem:s13], [sflag:$0x3], $0xA00, $0x38;
	[tilespmem:$0x9100] =	vst v63  }
0x21: {  	_ =	swait.ge [sflag:s14], $0xA00  }
0x22: {  	[sflag:s14] =	ssyncset.done $0x0  }
0x23: {  	[sflag:s14] =	ssyncadd.s32 $0xFFFFF600  }
0x24: {  	[spmem:s10] =	stream.linear.scatter [tilespmem:s13], [sflag:$0x3], $0xA00, $0x38;
	[tilespmem:$0x9100] =	vst v63  }
0x25: {  	_ =	swait.ge [sflag:s14], $0xA00  }
0x26: {  	[sflag:s14] =	ssyncset.done $0x0  }
0x27: {  	[sflag:s14] =	ssyncadd.s32 $0xFFFFF600  }
0x28: {  	[spmem:s11] =	stream.linear.scatter [tilespmem:s13], [sflag:$0x3], $0xA00, $0x38;
	[tilespmem:$0x9100] =	vst v63  }
0x29: {  	_ =	swait.ge [sflag:s14], $0xA00  }
0x2a: {  	s25 =	simm.s32 $0x2780;
	s26 =	simm.s32 $0x10;
	[sflag:s14] =	ssyncset.done $0x0  }
0x2b: {  	s29 =	sadd.s32 $0x0, s12;
	s28 =	simm.s32 $0x2800;
	[sflag:s14] =	ssyncadd.s32 $0xFFFFF600  }
.LBB2_4:
0x2c: {  	[tilespmem:s25], [sflag:$0x2] =	stream.linear.gather [hbm4b:s29+s3], $0x80, $0x38;
	[tilespmem:$0x9100] =	vst v63  }
0x2d: {  	s29 =	smov.u32 s26;
	s25 =	smov.u32 s28;
	p0 =	sne.s32 s26, $0x4D0  }
.Ltmp1:
0x2e: {  	s26 =	sadd.s32 $0x10, s26;
	(pc) =	sbr.rel @p0 .LBB2_4-.Ltmp1, $2  }
0x2f: {  	_ =	sdelay $0x2  }
0x30: {  	s28 =	sadd.s32 $0x80, s28;
	s29 =	sadd.s32 s29, s12  }
0x31: {  	[tilespmem:s25], [sflag:$0x2] =	stream.linear.gather [hbm4b:s29+s3], $0x80, $0x38;
	[tilespmem:$0x9100] =	vst v63  }
0x32: {  	_ = 	snop  }
0x33: {  	[tilespmem:s15], [sflag:$0x2] =	stream.linear.gather [hbm4b:s5+s3], $0x10, $0x38;
	[tilespmem:$0x9100] =	vst v63  }
0x34: {  	_ = 	snop  }
0x35: {  	[tilespmem:s3], [sflag:$0x2] =	stream.linear.gather [hbm4b:s6+s3], $0x2710, $0x38;
	[tilespmem:$0x9100] =	vst v63  }
0x36: {  	[tilespmem:$0x2710] =	vst v1  }
0x37: {  	[tilespmem:$0x2720] =	vst v1  }
0x38: {  	[tilespmem:$0x2730] =	vst v1  }
0x39: {  	[tilespmem:$0x2740] =	vst v1  }
0x3a: {  	[tilespmem:$0x2750] =	vst v1  }
0x3b: {  	[tilespmem:$0x2760] =	vst v1  }
0x3c: {  	[tilespmem:$0x2770] =	vst v1  }
0x3d: {  	[tilespmem:$0x4E90] =	vst v2  }
0x3e: {  	[tilespmem:$0x4EA0] =	vst v2  }
0x3f: {  	[tilespmem:$0x4EB0] =	vst v2  }
0x40: {  	[tilespmem:$0x4EC0] =	vst v2  }
0x41: {  	[tilespmem:$0x4ED0] =	vst v2  }
0x42: {  	[tilespmem:$0x4EE0] =	vst v2  }
0x43: {  	[tilespmem:$0x4EF0] =	vst v2  }
0x44: {  	_ =	swait.ge [sflag:s16], $0x80  }
0x45: {  	s25 =	simm.s32 $0x4D;
	[sflag:s16] =	ssyncset.done $0x0  }
.LBB2_6:
0x46: {  	p0 =	sne.s32 s25, $0x1;
	s25 =	sadd.s32 $0xFFFFFFFF, s25;
	[sflag:s16] =	ssyncadd.s32 $0xFFFFFF80  }
.Ltmp2:
0x47: {  	(pc) =	sbr.rel @p0 .LBB2_6-.Ltmp2, $3  }
0x48: {  	_ =	sdelay $0x1  }
0x49: {  	_ =	swait.ge [sflag:s16], $0x80  }
0x4a: {  	[sflag:s16] =	ssyncset.done $0x0  }
0x4b: {  	[sflag:s16] =	ssyncadd.s32 $0xFFFFFF80  }
0x4c: {  	_ =	swait.ge [sflag:s16], $0x10  }
0x4d: {  	[sflag:s16] =	ssyncset.done $0x0  }
0x4e: {  	[sflag:s16] =	ssyncadd.s32 $0xFFFFFFF0  }
0x4f: {  	_ =	swait.ge [sflag:s16], $0x2710  }
0x50: {  	[sflag:s16] =	ssyncset.done $0x0  }
0x51: {  	[sflag:s16] =	ssyncadd.s32 $0xFFFFD8F0  }
0x52: {  	s25 =	simm.s32 $0x80;
	s26 =	simm.s32 $0x0;
	[bflag:$0x0] =	sbarrier.arrive $0xFFFF  }
0x53: {  	[tilespmem:s17], [sflag:$0x1] =	stream.indirect.gather [hbm4b:s4+s25], $0x10, s26, s25, $0xb8;
	[tilespmem:$0x9100] =	vst v63  }
0x54: {  	s31 =	simm.s32 $0x0;
	_ =	swait.ge [sflag:s18], $0x800  }
0x55: {  	s28 =	sand.u32 $0x800, s31;
	[sflag:s18] =	ssyncset.done $0x0  }
0x56: {  	s26 =	ssub.s32 $0x5700, s28;
	[sflag:s18] =	ssyncadd.s32 $0xFFFFF800  }
0x57: {  	[tilespmem:s26], [sflag:$0x1] =	stream.indirect.gather [hbm4b:s4+s19], $0x10, s25, s19, $0xb8;
	[tilespmem:$0x9100] =	vst v63  }
0x58: {  	s28 =	sadd.s32 $0x4F00, s28;
	s26 =	simm.s32 $0x2780  }
0x59: {  	[spmem:s2] =	stream.indirect.scatter.add.f32 [tilespmem:s28], [sflag:$0x3], $0x10, s26, s19, $0xb8;
	[tilespmem:$0x9100] =	vst v63  }
0x5a: {  	_ =	swait.ge [sflag:s14], $0x800  }
0x5b: {  	s28 =	simm.s32 $0x1;
	[sflag:s14] =	ssyncset.done $0x0  }
.LBB2_8:
0x5c: {  	[sflag:s14] =	ssyncadd.s32 $0xFFFFF800;
	s26 =	sadd.s32 $0x80, s26;
	s25 =	sadd.s32 $0x80, s25  }
0x5d: {  	p0 =	sne.s32 s28, $0x4D;
	s29 =	smov.u32 s28;
	s28 =	sadd.s32 $0x1, s28  }
0x5e: {  	s29 =	sshll.u32 s29, $0xB;
	_ =	swait.ge [sflag:s18], $0x800  }
0x5f: {  	s29 =	sand.u32 $0x800, s29;
	[sflag:s18] =	ssyncset.done $0x0  }
0x60: {  	s30 =	ssub.s32 $0x5700, s29;
	[sflag:s18] =	ssyncadd.s32 $0xFFFFF800  }
0x61: {  	[tilespmem:s30], [sflag:$0x1] =	stream.indirect.gather [hbm4b:s4+s19], $0x10, s25, s19, $0xb8;
	[tilespmem:$0x9100] =	vst v63  }
.Ltmp3:
0x62: {  	_ = 	snop;
	(pc) =	sbr.rel @p0 .LBB2_8-.Ltmp3, $4  }
0x63: {  	s29 =	sadd.s32 $0x4F00, s29  }
0x64: {  	[spmem:s2] =	stream.indirect.scatter.add.f32 [tilespmem:s29], [sflag:$0x3], $0x10, s26, s19, $0xb8;
	[tilespmem:$0x9100] =	vst v63  }
0x65: {  	_ =	swait.ge [sflag:s14], $0x800  }
0x66: {  	[sflag:s14] =	ssyncset.done $0x0  }
0x67: {  	[sflag:s14] =	ssyncadd.s32 $0xFFFFF800  }
0x68: {  	_ =	swait.ge [sflag:s18], $0x800  }
0x69: {  	[sflag:s18] =	ssyncset.done $0x0  }
0x6a: {  	[sflag:s18] =	ssyncadd.s32 $0xFFFFF800  }
0x6b: {  	[spmem:s2] =	stream.indirect.scatter.add.f32 [tilespmem:s17], [sflag:$0x3], $0x10, s15, s19, $0xb8;
	[tilespmem:$0x9100] =	vst v63  }
0x6c: {  	_ =	swait.ge [sflag:s14], $0x800  }
0x6d: {  	[sflag:s14] =	ssyncset.done $0x0  }
0x6e: {  	[sflag:s14] =	ssyncadd.s32 $0xFFFFF800  }
0x6f: {  	[bflag:$0x0] =	sbarrier.arrive $0xFFFF  }
0x70: {  	[tilespmem:s13], [sflag:$0x3] =	stream.linear.gather [spmem:s7], $0xA00, $0x38;
	[tilespmem:$0x9100] =	vst v63  }
0x71: {  	_ =	swait.ge [sflag:s14], $0xA00  }
0x72: {  	[sflag:s14] =	ssyncset.done $0x0  }
0x73: {  	[sflag:s14] =	ssyncadd.s32 $0xFFFFF600  }
0x74: {  	[hbm4b:s20+s3] =	stream.linear.scatter [tilespmem:s13], [sflag:$0x3], $0xA00, $0x38;
	[tilespmem:$0x9100] =	vst v63  }
0x75: {  	_ =	swait.ge [sflag:s14], $0xA00  }
0x76: {  	[sflag:s14] =	ssyncset.done $0x0  }
0x77: {  	[sflag:s14] =	ssyncadd.s32 $0xFFFFF600  }
0x78: {  	[tilespmem:s13], [sflag:$0x3] =	stream.linear.gather [spmem:s9], $0xA00, $0x38;
	[tilespmem:$0x9100] =	vst v63  }
0x79: {  	_ =	swait.ge [sflag:s14], $0xA00  }
0x7a: {  	[sflag:s14] =	ssyncset.done $0x0  }
0x7b: {  	[sflag:s14] =	ssyncadd.s32 $0xFFFFF600  }
0x7c: {  	[hbm4b:s21+s3] =	stream.linear.scatter [tilespmem:s13], [sflag:$0x3], $0xA00, $0x38;
	[tilespmem:$0x9100] =	vst v63  }
0x7d: {  	_ =	swait.ge [sflag:s14], $0xA00  }
0x7e: {  	[sflag:s14] =	ssyncset.done $0x0  }
0x7f: {  	[sflag:s14] =	ssyncadd.s32 $0xFFFFF600  }
0x80: {  	[tilespmem:s13], [sflag:$0x3] =	stream.linear.gather [spmem:s10], $0xA00, $0x38;
	[tilespmem:$0x9100] =	vst v63  }
0x81: {  	_ =	swait.ge [sflag:s14], $0xA00  }
0x82: {  	[sflag:s14] =	ssyncset.done $0x0  }
0x83: {  	[sflag:s14] =	ssyncadd.s32 $0xFFFFF600  }
0x84: {  	[hbm4b:s22+s3] =	stream.linear.scatter [tilespmem:s13], [sflag:$0x3], $0xA00, $0x38;
	[tilespmem:$0x9100] =	vst v63  }
0x85: {  	_ =	swait.ge [sflag:s14], $0xA00  }
0x86: {  	[sflag:s14] =	ssyncset.done $0x0  }
0x87: {  	[sflag:s14] =	ssyncadd.s32 $0xFFFFF600  }
0x88: {  	[tilespmem:s13], [sflag:$0x3] =	stream.linear.gather [spmem:s11], $0xA00, $0x38;
	[tilespmem:$0x9100] =	vst v63  }
0x89: {  	s24 =	sadd.s32 $0x1, s24;
	_ =	swait.ge [sflag:s14], $0xA00  }
0x8a: {  	p0 =	sne.s32 s24, s8;
	[sflag:s14] =	ssyncset.done $0x0  }
.Ltmp4:
0x8b: {  	[sflag:s14] =	ssyncadd.s32 $0xFFFFF600;
	(pc) =	sbr.rel @p0 .LBB2_1-.Ltmp4, $4  }
0x8c: {  	[hbm4b:s23+s3] =	stream.linear.scatter [tilespmem:s13], [sflag:$0x3], $0xA00, $0x38;
	[tilespmem:$0x9100] =	vst v63  }
0x8d: {  	_ =	swait.ge [sflag:s14], $0xA00  }
0x8e: {  	[sflag:s14] =	ssyncset.done $0x0  }
0x8f: {  	[sflag:s14] =	ssyncadd.s32 $0xFFFFF600  }
0x90: {  	_ =	sfence.sel $0x180000  }
0x91: {  	[bflag:$0x0] =	sbarrier.arrive $0xFFFF  }
0x92: {  	p0 =	sne.s32 s0, $0x0;
	_ =	strace $0x9000004D  }
0x93: {  	s0 =	sadd.s32 @!p0 $0x100000, s1;
	[bflag:$0x2] =	sbarrier.arrive $0xFFFF  }
0x94: {  	[sflag:s0] =	ssyncadd.tile.s32 @!p0 $0x1;
	_ =	shalt  }
.Lfunc_end2:
_tile_overlayer_lowered:
.L_overlay_start_2:
0x95: {  	(tag) =	ssettag $0x2  }
0x96: {  	s0 =	rddreg [dreg:$0x0];
	s2 =	stileid.u32  }
0x97: {  	s1 =	rddreg [dreg:$0x1];
	p0 =	sne.s32 s2, $0x0  }
0x98: {  	s3 =	rddreg [dreg:$0x2];
	[bflag:$0x3] =	sbarrier.arrive $0xFFFF;
	s2 =	simm.s32 @!p0 $0x1C03  }
0x99: {  	[timem:s3], [sflag:s2] =	dma.local @!p0 [hbm:s0], s1  }
0x9a: {  	s0 =	simm.s32 @!p0 $0x3  }
0x9b: {  	_ =	swait.ge @!p0 [sflag:s0], s1  }
0x9c: {  	s1 =	ssub.s32 @!p0 $0x0, s1;
	[sflag:s0] =	ssyncset.done @!p0 $0x0  }
0x9d: {  	[sflag:s0] =	ssyncadd.s32 @!p0 s1  }
0x9e: {  	[bflag:$0x3] =	sbarrier.arrive $0xFFFF  }
0x9f: {  	_ =	shalt  }

// kernel: kernel.8.cloned.1.call-start
scs
__scs_entry_jumppad:
0x0: {  	(pc) =	sbr.rel $0x88, $3  }
0x1: {  	(tag) =	ssettag $0x0;
	lr =	simm.s32 $0x1  }
0x2: {  	[smem:$0x3F99] =	sst lr;
	_ =	strace $0xD0000000  }
0x3: {  	_ = 	snop  }
0x4: {  	_ = 	snop  }
0x5: {  	_ = 	snop  }
0x6: {  	_ = 	snop  }
0x7: {  	_ = 	snop  }
__scs_overlays_trampoline_lowered:
0x8: {  	[smem:$0x3FA8] =	sst s0  }
0x9: {  	[smem:$0x3FA9] =	sst s1  }
0xa: {  	[smem:$0x3FAA] =	sst s2  }
0xb: {  	[smem:$0x3FAB] =	sst s3  }
0xc: {  	[smem:$0x3FAC] =	sst s4  }
0xd: {  	[smem:$0x3FAD] =	sst s5  }
0xe: {  	[smem:$0x3FAE] =	sst s6  }
0xf: {  	[smem:$0x3FAF] =	sst s7  }
0x10: {  	[smem:$0x3FB0] =	sst s8  }
0x11: {  	[smem:$0x3FB1] =	sst s9;
	s0 =	simm.s32 @!p0 $0x0  }
0x12: {  	s1 =	sld [smem:$0x3F97];
	s0 =	simm.s32 @p0 $0x1  }
0x13: {  	[smem:$0x3FB2] =	sst s0;
	s0 =	simm.s32 @!p1 $0x0  }
0x14: {  	s2 =	sld [smem:$0x3F96];
	s0 =	simm.s32 @p1 $0x1  }
0x15: {  	[smem:$0x3FB3] =	sst s0;
	s0 =	simm.s32 @!p2 $0x0  }
0x16: {  	s3 =	sld [smem:$0x3FDB];
	s0 =	simm.s32 @p2 $0x1  }
0x17: {  	s4 =	simm.s32 $0x1BF5;
	[smem:$0x3FB5] =	sst s0  }
0x18: {  	s0 =	sld [smem:$0x3F98];
	_ =	swait.ge [sflag:s4], $0x0  }
0x19: {  	s7 =	sld [smem:$0x3F99]  }
0x1a: {  	s8 =	sadd.s32 $0xFFFFE003, lr  }
0x1b: {  	s9 =	sadd.s32 $0xFFFFFEF7, lr;
	s5 =	simm.s32 $0xFFFFFFFF;
	p2 =	slt.u32 s8, $0xFFFFF086  }
0x1c: {  	p1 =	slt.u32 s9, $0xF7A;
	s5 =	simm.s32 @!p2 $0x0  }
0x1d: {  	s5 =	simm.s32 @p1 $0x1;
	p0 =	seq.s32 s7, s2  }
0x1e: {  	s7 =	smul.u32 @!p0 $0xF7A, s2;
	p2 =	seq.s32 @!p0 s5, $0x0  }
0x1f: {  	s9 =	smul.u32 $0xF7A, s1;
	s8 =	simm.s32 @!p0 $0x1BF5;
	p2 =	por !p2, p0  }
0x20: {  	[sflag:s8] =	ssyncset.s32 @!p0 $0xFFFFF086;
	s6 =	sadd.s32 @!p0 s3, s7;
	s7 =	simm.s32 @!p0 $0x108  }
0x21: {  	s3 =	sadd.s32 s3, s9;
	s6 =	sadd.s32 @!p0 $0x88, s6;
	s7 =	simm.s32 @p2 $0x1082  }
0x22: {  	[simem:s7], [sflag:s8] =	dma.local @!p0 [hbm:s6], $0xF7A  }
0x23: {  	s9 =	sor.u32 $0xD0000000, s2;
	s6 =	simm.s32 $0x108;
	_ =	swait.ge @!p0 [sflag:s8], $0x0  }
0x24: {  	s3 =	sadd.s32 $0x88, s3;
	s6 =	simm.s32 @!p1 $0x1082;
	[sflag:s4] =	ssyncset.s32 $0xFFFFF086  }
0x25: {  	[simem:s6], [sflag:s4] =	dma.local [hbm:s3], $0xF7A  }
0x26: {  	[smem:$0x3F99] =	sst s1;
	(tag) =	ssettag s2;
	_ =	strace s9  }
0x27: {  	s1 =	sld [smem:$0x3FA9]  }
0x28: {  	s2 =	sld [smem:$0x3FAA]  }
0x29: {  	s4 =	sld [smem:$0x3FAC]  }
0x2a: {  	p0 =	seq.s32 s5, $0x0;
	s5 =	sld [smem:$0x3FAD]  }
0x2b: {  	s6 =	sld [smem:$0x3FAE]  }
0x2c: {  	s7 =	sld [smem:$0x3FAF]  }
0x2d: {  	s3 =	simm.s32 $0x108;
	s8 =	sld [smem:$0x3FB0]  }
0x2e: {  	s3 =	simm.s32 @!p0 $0x1082;
	s9 =	sld [smem:$0x3FB1]  }
0x2f: {  	lr =	sadd.s32 s0, s3;
	s0 =	sld [smem:$0x3FA8]  }
0x30: {  	s3 =	sld [smem:$0x3FAB]  }
0x31: {  	[smem:$0x3FB4] =	sst s10  }
0x32: {  	s10 =	sld [smem:$0x3FB2];
	_ =	sdelay $0x3  }
0x33: {  	p0 =	seq.s32 s10, $0x1;
	s10 =	sld [smem:$0x3FB4];
	_ =	sdelay $0x3  }
0x34: {  	[smem:$0x3FB4] =	sst s10  }
0x35: {  	s10 =	sld [smem:$0x3FB3];
	_ =	sdelay $0x3  }
0x36: {  	p1 =	seq.s32 s10, $0x1;
	s10 =	sld [smem:$0x3FB4];
	_ =	sdelay $0x3  }
0x37: {  	[smem:$0x3FB4] =	sst s10  }
0x38: {  	s10 =	sld [smem:$0x3FB5]  }
0x39: {  	_ = 	snop;
	(pc) =	sbr.ind lr, $3  }
0x3a: {  	_ = 	snop  }
0x3b: {  	_ = 	snop  }
0x3c: {  	p2 =	seq.s32 s10, $0x1;
	s10 =	sld [smem:$0x3FB4]  }
0x3d: {  	_ =	shalt  }
0x3e: {  	_ =	shalt  }
0x3f: {  	_ =	shalt  }
0x40: {  	_ =	shalt  }
0x41: {  	_ =	shalt  }
0x42: {  	_ =	shalt  }
0x43: {  	_ =	shalt  }
0x44: {  	_ =	shalt  }
0x45: {  	_ =	shalt  }
0x46: {  	_ =	shalt  }
0x47: {  	_ =	shalt  }
0x48: {  	_ =	shalt  }
0x49: {  	_ =	shalt  }
0x4a: {  	_ =	shalt  }
0x4b: {  	_ =	shalt  }
0x4c: {  	_ =	shalt  }
0x4d: {  	_ =	shalt  }
0x4e: {  	_ =	shalt  }
0x4f: {  	_ =	shalt  }
0x50: {  	_ =	shalt  }
0x51: {  	_ =	shalt  }
0x52: {  	_ =	shalt  }
0x53: {  	_ =	shalt  }
0x54: {  	_ =	shalt  }
0x55: {  	_ =	shalt  }
0x56: {  	_ =	shalt  }
0x57: {  	_ =	shalt  }
0x58: {  	_ =	shalt  }
0x59: {  	_ =	shalt  }
0x5a: {  	_ =	shalt  }
0x5b: {  	_ =	shalt  }
0x5c: {  	_ =	shalt  }
0x5d: {  	_ =	shalt  }
0x5e: {  	_ =	shalt  }
0x5f: {  	_ =	shalt  }
0x60: {  	_ =	shalt  }
0x61: {  	_ =	shalt  }
0x62: {  	_ =	shalt  }
0x63: {  	_ =	shalt  }
0x64: {  	_ =	shalt  }
0x65: {  	_ =	shalt  }
0x66: {  	_ =	shalt  }
0x67: {  	_ =	shalt  }
0x68: {  	_ =	shalt  }
0x69: {  	_ =	shalt  }
0x6a: {  	_ =	shalt  }
0x6b: {  	_ =	shalt  }
0x6c: {  	_ =	shalt  }
0x6d: {  	_ =	shalt  }
0x6e: {  	_ =	shalt  }
0x6f: {  	_ =	shalt  }
0x70: {  	_ =	shalt  }
0x71: {  	_ =	shalt  }
0x72: {  	_ =	shalt  }
0x73: {  	_ =	shalt  }
0x74: {  	_ =	shalt  }
0x75: {  	_ =	shalt  }
0x76: {  	_ =	shalt  }
0x77: {  	_ =	shalt  }
0x78: {  	_ =	shalt  }
0x79: {  	_ =	shalt  }
0x7a: {  	_ =	shalt  }
0x7b: {  	_ =	shalt  }
0x7c: {  	_ =	shalt  }
0x7d: {  	_ =	shalt  }
0x7e: {  	_ =	shalt  }
0x7f: {  	_ =	shalt  }
0x80: {  	_ =	shalt  }
0x81: {  	_ =	shalt  }
0x82: {  	_ =	shalt  }
0x83: {  	_ =	shalt  }
0x84: {  	_ =	shalt  }
0x85: {  	_ =	shalt  }
0x86: {  	_ =	shalt  }
0x87: {  	_ =	shalt  }
.Lfunc_end0:
.L_simem_size_0:
called_computation_lowered:
.L_overlay_start_0:
0x88: {  	s2 =	sld [smem:$0x3FD9]  }
0x89: {  	s3 =	sld [smem:$0x3FFE];
	_ =	sdelay $0x1  }
0x8a: {  	s1 =	srdreg.scid  }
0x8b: {  	s0 =	sand.u32 $0x1, s1  }
0x8c: {  	s17 =	sshll.u32 s0, $0xA;
	s2 =	sadd.s32 s3, s2  }
0x8d: {  	s2 =	sadd.s32 s2, s17  }
0x8e: {  	[smem:$0x3FC0] =	sst s2  }
0x8f: {  	_ = 	snop  }
0x90: {  	s2 =	sld [smem:$0x3FD0];
	(tm) =	ssettm $0x1  }
0x91: {  	s18 =	sld [smem:$0x3FFB];
	_ =	sdelay $0x3  }
0x92: {  	_ =	strace s18  }
0x93: {  	s3 =	sld [smem:$0x3FFC];
	_ =	sdelay $0x3  }
0x94: {  	_ =	strace s3  }
0x95: {  	s3 =	sld [smem:$0x3FFD];
	_ =	sdelay $0x3  }
0x96: {  	_ =	strace s3  }
0x97: {  	_ =	strace $0x8FFFFFFF  }
0x98: {  	s19 =	sld [smem:$0x3FDB];
	_ =	sdelay $0x1  }
0x99: {  	s4 =	simm.s32 $_scs_section_size  }
0x9a: {  	s5 =	simm.s32 $_size__tile_overlayer_lowered;
	s6 =	simm.s32 $_tile_overlayer_lowered  }
0x9b: {  	s22 =	simm.s32 $0x1BFF;
	s21 =	sshll.u32 s6, $0x1;
	s3 =	sadd.s32 s4, s19  }
0x9c: {  	s7 =	simm.s32 $0x0;
	s20 =	sshll.u32 s5, $0x1;
	s5 =	sadd.s32 s21, s3  }
0x9d: {  	[timem:s7], [sflag:s22] =	dma.local [hbm:s5], s20  }
0x9e: {  	_ =	swait.ge [sflag:s22], s20  }
0x9f: {  	s4 =	ssub.s32 $0x0, s20;
	[sflag:s22] =	ssyncset.done $0x0  }
0xa0: {  	[sflag:s22] =	ssyncadd.s32 s4;
	_ =	sdelay $0x1  }
0xa1: {  	s23 =	simm.s32 $0x1B8B  }
0xa2: {  	_ =	swait.ge [sflag:s23], $0x1  }
0xa3: {  	[sflag:s23] =	ssyncset.done $0x0  }
0xa4: {  	s25 =	simm.s32 $0x1B8E;
	s24 =	sld [smem:$0x3FFE];
	[sflag:s23] =	ssyncadd.s32 $0xFFFFFFFF  }
0xa5: {  	s26 =	simm.s32 $execute0_lowered;
	[smem:$0x3FD2] =	sst s25  }
0xa6: {  	s5 =	sshll.u32 s26, $0x1;
	_ =	strace $0x80000046;
	[dreg:$0x1] =	wrdreg $0xFFFFFFFF  }
0xa7: {  	s28 =	simm.s32 $_size_execute0_lowered;
	s3 =	sadd.s32 s3, s5;
	[dreg:$0x0] =	wrdreg $0x0  }
0xa8: {  	s5 =	sshll.u32 s28, $0x1;
	[dreg:$0x2] =	wrdreg s3  }
0xa9: {  	[dreg:$0x3] =	wrdreg s5  }
0xaa: {  	[dreg:$0x4] =	wrdreg $0xC0  }
0xab: {  	_ =	task [dreg:s7], $0x5FFFF  }
0xac: {  	[dreg:$0x1] =	wrdreg $0xFFFFFFFF  }
0xad: {  	[dreg:$0x0] =	wrdreg $0x60  }
0xae: {  	[dreg:$0x2] =	wrdreg s24  }
0xaf: {  	[dreg:$0x3] =	wrdreg s2  }
0xb0: {  	[dreg:$0x4] =	wrdreg $0x39800  }
0xb1: {  	[dreg:$0x5] =	wrdreg $0x9  }
0xb2: {  	_ =	task.clear_ibuf [dreg:s7], $0x6FFFF;
	_ =	strace $0x90000046  }
0xb3: {  	s29 =	simm.s32 $0x9;
	_ =	strace $0x80000048  }
0xb4: {  	_ =	swait.ge [sflag:s29], $0x1  }
0xb5: {  	[sflag:s29] =	ssyncadd.s32 $0xFFFFFFFF  }
0xb6: {  	_ =	strace $0x90000048  }
0xb7: {  	_ =	sfence  }
0xb8: {  	s30 =	sld [smem:$0x0];
	_ =	sdelay $0x2  }
0xb9: {  	s31 =	sshll.u32 s1, $0xD;
	s1 =	sshrl.u32 s1, $0x2  }
0xba: {  	s3 =	sand.u32 $0x4000, s31;
	s1 =	sadd.s32 s1, s30  }
0xbb: {  	s0 =	sor.u32 s3, s0;
	s1 =	sshll.u32 s1, $0x11  }
0xbc: {  	s0 =	sor.u32 s1, s0  }
0xbd: {  	s0 =	sadd.s32 $0x8F2B, s0  }
0xbe: {  	[sflag:s0] =	ssyncadd.remote.s32 $0x1  }
0xbf: {  	_ =	sfence.sel $0xFFFF  }
0xc0: {  	[dreg:$0x0] =	wrdreg $0xFFFFFFFF;
	(pc) =	sbr.abs _section_cstart, $3  }
0xc1: {  	[dreg:$0x1] =	wrdreg $0xFFFFFFFF  }
0xc2: {  	_ =	task.clear_ibuf [dreg:s7], $0x2FFFF;
	_ =	strace $0x9FFFFFFF  }
0xc3: {  	(tm) =	ssettm $0x7FFFFFFF  }
tec
execute0_lowered:
.L_overlay_start_1:
0x0: {  	(tag) =	ssettag $0x1  }
0x1: {  	s4 =	rddreg [dreg:$0x0]  }
0x2: {  	s1 =	srdreg.scid;
	s0 =	stileid.u32  }
0x3: {  	s5 =	rddreg [dreg:$0x1];
	s8 =	smul.u32 $0x280, s0  }
0x4: {  	s2 =	rddreg [dreg:$0x2];
	s3 =	simm.s32 $0x0;
	s12 =	smul.u32 $0xA000, s0  }
0x5: {  	s7 =	sand.u32 $0x1, s1;
	s1 =	rddreg [dreg:$0x3];
	s14 =	smul.u32 $0x4E20, s0  }
0x6: {  	s22 =	sshll.u32 s0, $0x1;
	[smem:$0x7FF] =	sst s3;
	s17 =	smul.u32 $0x500, s0  }
0x7: {  	s10 =	sadd.s32 $0x3200, s4;
	s6 =	sor.u32 s7, s22;
	s9 =	smul.u32 $0x5000, s7  }
0x8: {  	s23 =	ssub.s32 $0x2, s7;
	_ =	strace $0x80000047;
	s16 =	smul.u32 $0x2710, s7  }
0x9: {  	s6 =	smul.u32 $0x2710, s6;
	s11 =	sshrl.u32 s23, $0x1;
	s24 =	sshrl.u32 s12, $0x2  }
0xa: {  	s25 =	sadd.s32 $0xA0, s8;
	s28 =	sadd.s32 $0x140, s8;
	s13 =	sadd.s32 $0x1E0, s8  }
0xb: {  	s12 =	simm.s32 $0x2;
	s11 =	ssub.s32 s23, s11;
	s20 =	sadd.s32 s5, s9  }
0xc: {  	s5 =	sadd.s32 s24, s2;
	s26 =	sshll.u32 s25, $0x4;
	s29 =	sshll.u32 s28, $0x4  }
0xd: {  	s15 =	sshll.u32 s13, $0x4;
	s18 =	sshll.u32 s25, $0x1;
	s30 =	sadd.s32 s16, s14  }
0xe: {  	s19 =	sshll.u32 s28, $0x1;
	s21 =	sshll.u32 s13, $0x1;
	s13 =	simm.s32 $0x2700  }
0xf: {  	s14 =	simm.s32 $0x1;
	s16 =	simm.s32 $0x2780;
	s6 =	sshrl.u32 s6, $0x3  }
0x10: {  	s7 =	sadd.s32 s26, s2;
	s8 =	sadd.s32 s29, s2;
	s9 =	sadd.s32 s15, s2  }
0x11: {  	s31 =	sshrl.u32 s30, $0x3;
	s15 =	simm.s32 $0x80;
	s17 =	sadd.s32 s17, s20  }
0x12: {  	s18 =	sadd.s32 s18, s20;
	s19 =	sadd.s32 s19, s20;
	s20 =	sadd.s32 s21, s20  }
0x13: {  	s21 =	simm.s32 $0x0;
	s6 =	sadd.s32 s10, s6;
	s10 =	sadd.s32 s31, s10  }
0x14: {  	v0 =	vimm.f32 $0.0e+00;
	v1 =	vimm.f32 $1.000000000e+00;
	v2 =	vimm.s32 $0x2710;
	s4 =	sadd.s32 $0x4E0, s6;
	s6 =	smax.u32 s11, $0x1;
	s11 =	simm.s32 $0x2F80  }
.LBB2_1:
0x15: {  	s22 =	simm.s32 $0x40;
	s23 =	simm.s32 $0x0  }
.LBB2_2:
0x16: {  	p0 =	sne.s32 s22, $0x27C0;
	[tilespmem:s23+$0x2F80] =	vst v0;
	s23 =	smov.u32 s22;
	s22 =	sadd.s32 $0x40, s22  }
.Ltmp0:
0x17: {  	(pc) =	sbr.rel @p0 .LBB2_2-.Ltmp0, $2  }
0x18: {  	_ =	sdelay $0x2  }
0x19: {  	s23 =	sshra.s32 s23, $0x2  }
0x1a: {  	[tilespmem:s23+$0x2F80] =	vst v0  }
0x1b: {  	[spmem:s5] =	stream.linear.scatter [tilespmem:s11], [sflag:$0x2], $0xA00, $0x38;
	[tilespmem:$0x6180] =	vst v63  }
0x1c: {  	_ =	swait.ge [sflag:s12], $0xA00  }
0x1d: {  	[sflag:s12] =	ssyncset.done $0x0  }
0x1e: {  	[sflag:s12] =	ssyncadd.s32 $0xFFFFF600  }
0x1f: {  	[spmem:s7] =	stream.linear.scatter [tilespmem:s11], [sflag:$0x2], $0xA00, $0x38;
	[tilespmem:$0x6180] =	vst v63  }
0x20: {  	_ =	swait.ge [sflag:s12], $0xA00  }
0x21: {  	[sflag:s12] =	ssyncset.done $0x0  }
0x22: {  	[sflag:s12] =	ssyncadd.s32 $0xFFFFF600  }
0x23: {  	[spmem:s8] =	stream.linear.scatter [tilespmem:s11], [sflag:$0x2], $0xA00, $0x38;
	[tilespmem:$0x6180] =	vst v63  }
0x24: {  	_ =	swait.ge [sflag:s12], $0xA00  }
0x25: {  	[sflag:s12] =	ssyncset.done $0x0  }
0x26: {  	[sflag:s12] =	ssyncadd.s32 $0xFFFFF600  }
0x27: {  	[spmem:s9] =	stream.linear.scatter [tilespmem:s11], [sflag:$0x2], $0xA00, $0x38;
	[tilespmem:$0x6180] =	vst v63  }
0x28: {  	_ =	swait.ge [sflag:s12], $0xA00  }
0x29: {  	s22 =	simm.s32 $0x0;
	s23 =	simm.s32 $0x10;
	[sflag:s12] =	ssyncset.done $0x0  }
0x2a: {  	s25 =	sadd.s32 $0x0, s10;
	s24 =	simm.s32 $0x80;
	[sflag:s12] =	ssyncadd.s32 $0xFFFFF600  }
.LBB2_4:
0x2b: {  	[tilespmem:s22], [sflag:$0x1] =	stream.linear.gather [hbm4b:s25+s3], $0x80, $0x38;
	[tilespmem:$0x6180] =	vst v63  }
0x2c: {  	s25 =	smov.u32 s23;
	s22 =	smov.u32 s24;
	p0 =	sne.s32 s23, $0x4D0  }
.Ltmp1:
0x2d: {  	s23 =	sadd.s32 $0x10, s23;
	(pc) =	sbr.rel @p0 .LBB2_4-.Ltmp1, $2  }
0x2e: {  	_ =	sdelay $0x2  }
0x2f: {  	s24 =	sadd.s32 $0x80, s24;
	s25 =	sadd.s32 s25, s10  }
0x30: {  	[tilespmem:s22], [sflag:$0x1] =	stream.linear.gather [hbm4b:s25+s3], $0x80, $0x38;
	[tilespmem:$0x6180] =	vst v63  }
0x31: {  	s31 =	simm.s32 $0x0;
	s22 =	simm.s32 $0x40;
	s23 =	simm.s32 $0x0  }
0x32: {  	[tilespmem:s13], [sflag:$0x1] =	stream.linear.gather [hbm4b:s4+s31], $0x10, $0x38;
	[tilespmem:$0x6180] =	vst v63  }
.LBB2_6:
0x33: {  	p0 =	sne.s32 s22, $0x1FC0;
	[tilespmem:s23+$0x2780] =	vst v1;
	s23 =	smov.u32 s22;
	s22 =	sadd.s32 $0x40, s22  }
.Ltmp2:
0x34: {  	(pc) =	sbr.rel @p0 .LBB2_6-.Ltmp2, $2  }
0x35: {  	_ =	sdelay $0x2  }
0x36: {  	s23 =	sshra.s32 s23, $0x2  }
0x37: {  	[tilespmem:s23+$0x2780] =	vst v1  }
0x38: {  	[tilespmem:$0x2710] =	vst v2  }
0x39: {  	[tilespmem:$0x2720] =	vst v2  }
0x3a: {  	[tilespmem:$0x2730] =	vst v2  }
0x3b: {  	[tilespmem:$0x2740] =	vst v2  }
0x3c: {  	[tilespmem:$0x2750] =	vst v2  }
0x3d: {  	[tilespmem:$0x2760] =	vst v2  }
0x3e: {  	[tilespmem:$0x2770] =	vst v2  }
0x3f: {  	_ =	swait.ge [sflag:s14], $0x80  }
0x40: {  	s22 =	simm.s32 $0x4D;
	[sflag:s14] =	ssyncset.done $0x0  }
.LBB2_8:
0x41: {  	p0 =	sne.s32 s22, $0x1;
	s22 =	sadd.s32 $0xFFFFFFFF, s22;
	[sflag:s14] =	ssyncadd.s32 $0xFFFFFF80  }
.Ltmp3:
0x42: {  	(pc) =	sbr.rel @p0 .LBB2_8-.Ltmp3, $3  }
0x43: {  	_ =	sdelay $0x1  }
0x44: {  	_ =	swait.ge [sflag:s14], $0x80  }
0x45: {  	[sflag:s14] =	ssyncset.done $0x0  }
0x46: {  	[sflag:s14] =	ssyncadd.s32 $0xFFFFFF80  }
0x47: {  	_ =	swait.ge [sflag:s14], $0x10  }
0x48: {  	[sflag:s14] =	ssyncset.done $0x0  }
0x49: {  	[sflag:s14] =	ssyncadd.s32 $0xFFFFFFF0  }
0x4a: {  	s22 =	simm.s32 $0x0;
	[bflag:$0x0] =	sbarrier.arrive $0xFFFF  }
0x4b: {  	[spmem:s2] =	stream.indirect.scatter.add.f32 [tilespmem:s16], [sflag:$0x2], $0x10, s22, s15, $0xb8;
	[tilespmem:$0x6180] =	vst v63  }
0x4c: {  	_ =	swait.ge [sflag:s12], $0x800  }
0x4d: {  	s22 =	simm.s32 $0x200;
	[sflag:s12] =	ssyncset.done $0x0  }
.LBB2_10:
0x4e: {  	s23 =	sshra.s32 s22, $0x2;
	[sflag:s12] =	ssyncadd.s32 $0xFFFFF800;
	p0 =	sne.s32 s22, $0x9C00  }
0x4f: {  	[spmem:s2] =	stream.indirect.scatter.add.f32 [tilespmem:s16], [sflag:$0x2], $0x10, s23, s15, $0xb8;
	[tilespmem:$0x6180] =	vst v63  }
.Ltmp4:
0x50: {  	_ = 	snop;
	(pc) =	sbr.rel @p0 .LBB2_10-.Ltmp4, $4  }
0x51: {  	_ = 	snop  }
0x52: {  	s22 =	sadd.s32 $0x200, s22  }
0x53: {  	_ =	swait.ge [sflag:s12], $0x800  }
0x54: {  	[sflag:s12] =	ssyncset.done $0x0  }
0x55: {  	[sflag:s12] =	ssyncadd.s32 $0xFFFFF800  }
0x56: {  	[bflag:$0x0] =	sbarrier.arrive $0xFFFF  }
0x57: {  	[tilespmem:s11], [sflag:$0x2] =	stream.linear.gather [spmem:s5], $0xA00, $0x38;
	[tilespmem:$0x6180] =	vst v63  }
0x58: {  	_ =	swait.ge [sflag:s12], $0xA00  }
0x59: {  	[sflag:s12] =	ssyncset.done $0x0  }
0x5a: {  	[sflag:s12] =	ssyncadd.s32 $0xFFFFF600  }
0x5b: {  	[hbm4b:s17+s3] =	stream.linear.scatter [tilespmem:s11], [sflag:$0x2], $0xA00, $0x38;
	[tilespmem:$0x6180] =	vst v63  }
0x5c: {  	_ =	swait.ge [sflag:s12], $0xA00  }
0x5d: {  	[sflag:s12] =	ssyncset.done $0x0  }
0x5e: {  	[sflag:s12] =	ssyncadd.s32 $0xFFFFF600  }
0x5f: {  	[tilespmem:s11], [sflag:$0x2] =	stream.linear.gather [spmem:s7], $0xA00, $0x38;
	[tilespmem:$0x6180] =	vst v63  }
0x60: {  	_ =	swait.ge [sflag:s12], $0xA00  }
0x61: {  	[sflag:s12] =	ssyncset.done $0x0  }
0x62: {  	[sflag:s12] =	ssyncadd.s32 $0xFFFFF600  }
0x63: {  	[hbm4b:s18+s3] =	stream.linear.scatter [tilespmem:s11], [sflag:$0x2], $0xA00, $0x38;
	[tilespmem:$0x6180] =	vst v63  }
0x64: {  	_ =	swait.ge [sflag:s12], $0xA00  }
0x65: {  	[sflag:s12] =	ssyncset.done $0x0  }
0x66: {  	[sflag:s12] =	ssyncadd.s32 $0xFFFFF600  }
0x67: {  	[tilespmem:s11], [sflag:$0x2] =	stream.linear.gather [spmem:s8], $0xA00, $0x38;
	[tilespmem:$0x6180] =	vst v63  }
0x68: {  	_ =	swait.ge [sflag:s12], $0xA00  }
0x69: {  	[sflag:s12] =	ssyncset.done $0x0  }
0x6a: {  	[sflag:s12] =	ssyncadd.s32 $0xFFFFF600  }
0x6b: {  	[hbm4b:s19+s3] =	stream.linear.scatter [tilespmem:s11], [sflag:$0x2], $0xA00, $0x38;
	[tilespmem:$0x6180] =	vst v63  }
0x6c: {  	_ =	swait.ge [sflag:s12], $0xA00  }
0x6d: {  	[sflag:s12] =	ssyncset.done $0x0  }
0x6e: {  	[sflag:s12] =	ssyncadd.s32 $0xFFFFF600  }
0x6f: {  	[tilespmem:s11], [sflag:$0x2] =	stream.linear.gather [spmem:s9], $0xA00, $0x38;
	[tilespmem:$0x6180] =	vst v63  }
0x70: {  	s21 =	sadd.s32 $0x1, s21;
	_ =	swait.ge [sflag:s12], $0xA00  }
0x71: {  	p0 =	sne.s32 s21, s6;
	[sflag:s12] =	ssyncset.done $0x0  }
.Ltmp5:
0x72: {  	[sflag:s12] =	ssyncadd.s32 $0xFFFFF600;
	(pc) =	sbr.rel @p0 .LBB2_1-.Ltmp5, $4  }
0x73: {  	[hbm4b:s20+s3] =	stream.linear.scatter [tilespmem:s11], [sflag:$0x2], $0xA00, $0x38;
	[tilespmem:$0x6180] =	vst v63  }
0x74: {  	_ =	swait.ge [sflag:s12], $0xA00  }
0x75: {  	[sflag:s12] =	ssyncset.done $0x0  }
0x76: {  	[sflag:s12] =	ssyncadd.s32 $0xFFFFF600  }
0x77: {  	_ =	sfence.sel $0x180000  }
0x78: {  	[bflag:$0x0] =	sbarrier.arrive $0xFFFF  }
0x79: {  	p0 =	sne.s32 s0, $0x0;
	_ =	strace $0x90000047  }
0x7a: {  	s0 =	sadd.s32 @!p0 $0x100000, s1;
	[bflag:$0x2] =	sbarrier.arrive $0xFFFF  }
0x7b: {  	[sflag:s0] =	ssyncadd.tile.s32 @!p0 $0x1;
	_ =	shalt  }
.Lfunc_end2:
_tile_overlayer_lowered:
.L_overlay_start_2:
0x7c: {  	(tag) =	ssettag $0x2  }
0x7d: {  	s0 =	rddreg [dreg:$0x0];
	s2 =	stileid.u32  }
0x7e: {  	s1 =	rddreg [dreg:$0x1];
	p0 =	sne.s32 s2, $0x0  }
0x7f: {  	s3 =	rddreg [dreg:$0x2];
	[bflag:$0x3] =	sbarrier.arrive $0xFFFF;
	s2 =	simm.s32 @!p0 $0x1C02  }
0x80: {  	[timem:s3], [sflag:s2] =	dma.local @!p0 [hbm:s0], s1  }
0x81: {  	s0 =	simm.s32 @!p0 $0x2  }
0x82: {  	_ =	swait.ge @!p0 [sflag:s0], s1  }
0x83: {  	s1 =	ssub.s32 @!p0 $0x0, s1;
	[sflag:s0] =	ssyncset.done @!p0 $0x0  }
0x84: {  	[sflag:s0] =	ssyncadd.s32 @!p0 s1  }
0x85: {  	[bflag:$0x3] =	sbarrier.arrive $0xFFFF  }
0x86: {  	_ =	shalt  }

</sc_bundles>
